<compile_context>
chip_gen: v7x
topology: tpu7x:2x2x1
jax: 0.10.2.dev20260603
libtpu: 0.0.44.dev20260713+nightly
codegen_flags: <defaults>
</compile_context>

<pallas_src>
import functools

import jax
import jax.numpy as jnp
from jax import lax
from jax.experimental import pallas as pl
from jax.experimental.pallas import tpu as pltpu
from jax.experimental.pallas import tpu_sc as plsc

_M = 100000
_D = 64
_C = 4096
_B = 1024
_TEMP = 0.05

_NW = 32
_CHUNK = 128
_NFULL = _M // _CHUNK
_TAIL = _M - _NFULL * _CHUNK
_JMAX = (_NFULL + _NW - 1) // _NW
_NB = 2
_ZROWS = _C // 16
_CW = 16


def _sc_segment_sum(features, labels, lbl2d, indexes, zeros_d, zeros_c,
                    ones_c):
  mesh = plsc.VectorSubcoreMesh(core_axis_name="c", subcore_axis_name="s")

  @functools.partial(
      pl.kernel,
      out_type=[
          jax.ShapeDtypeStruct((2, _C, _D), jnp.float32),
          jax.ShapeDtypeStruct((2, _C, _CW), jnp.float32),
          jax.ShapeDtypeStruct((_B,), jnp.int32),
      ],
      mesh=mesh,
      scratch_types=[
          pltpu.VMEM((_JMAX, _CHUNK), jnp.int32),
          pltpu.VMEM((_NB, _CHUNK, _D), jnp.float32),
          pltpu.VMEM((_CHUNK, _CW), jnp.float32),
          pltpu.VMEM((1, _TAIL), jnp.int32),
          pltpu.VMEM((_TAIL, _D), jnp.float32),
          pltpu.VMEM((_CHUNK,), jnp.int32),
          pltpu.VMEM((_CHUNK,), jnp.int32),
          pltpu.SemaphoreType.DMA((_NB,)),
          pltpu.VMEM_SHARED((_C, _D), jnp.float32),
          pltpu.VMEM_SHARED((_C, _CW), jnp.float32),
      ],
  )
  def k(feat_hbm, lbl_hbm, lbl2d_hbm, idx_hbm, zd_hbm, zc_hbm, ones_hbm,
        sums_out, cnts_out, tgt_out,
        lbl_a, feat_v, ones_v, tl_v, tf_v, idx_v, tgt_v,
        fsem, acc_s, cnt_s):
    cid = lax.axis_index("c")
    sid = lax.axis_index("s")
    wid = sid * 2 + cid

    base = 24 * wid
    nw = 24 + (wid < 13).astype(jnp.int32)

    pltpu.make_async_copy(
        lbl2d_hbm.at[pl.ds(base, 24)], lbl_a.at[pl.ds(0, 24)],
        fsem.at[0]).start()
    pltpu.sync_copy(zd_hbm, acc_s.at[pl.ds(sid * _ZROWS, _ZROWS)])
    pltpu.sync_copy(zc_hbm, cnt_s.at[pl.ds(sid * _ZROWS, _ZROWS)])
    pltpu.sync_copy(ones_hbm, ones_v)
    pltpu.make_async_copy(
        lbl2d_hbm.at[pl.ds(base, 24)], lbl_a.at[pl.ds(0, 24)],
        fsem.at[0]).wait()

    @pl.when(wid < 13)
    def _():
      pltpu.sync_copy(lbl_hbm.at[pl.ds((768 + wid) * _CHUNK, _CHUNK)],
                      lbl_a.at[24])

    plsc.subcore_barrier()

    def valid(j):
      return (j >= 0) & (j < nw)

    def chunk_off(j):
      return jnp.where(j < 24, base + j, 768 + wid) * _CHUNK

    def start_load(j, b):
      pltpu.make_async_copy(
          feat_hbm.at[pl.ds(chunk_off(j), _CHUNK)], feat_v.at[b],
          fsem.at[b]).start()

    def wait_load(j, b):
      pltpu.make_async_copy(
          feat_hbm.at[pl.ds(chunk_off(j), _CHUNK)], feat_v.at[b],
          fsem.at[b]).wait()

    def do_scatter(j, b):
      pltpu.sync_copy(feat_v.at[b], acc_s.at[lbl_a.at[j]], add=True)
      pltpu.sync_copy(ones_v, cnt_s.at[lbl_a.at[j]], add=True)

    @pl.when(valid(0))
    def _():
      start_load(0, 0)

    def step(j, b):
      @pl.when(valid(j + 1))
      def _():
        start_load(j + 1, (b + 1) % _NB)

      @pl.when(valid(j))
      def _():
        wait_load(j, b)
        do_scatter(j, b)

    nsteps = _JMAX + _NB - 1
    ngroups = (nsteps + _NB - 1) // _NB

    def body(g, carry):
      for u in range(_NB):
        step(_NB * g + u, u)
      return carry

    lax.fori_loop(0, ngroups, body, 0)

    @pl.when(wid == _NW - 1)
    def _():
      off = _NFULL * _CHUNK
      pltpu.sync_copy(lbl_hbm.at[pl.ds(off, _TAIL)], tl_v.at[0])
      pltpu.sync_copy(feat_hbm.at[pl.ds(off, _TAIL)], tf_v)
      pltpu.sync_copy(tf_v, acc_s.at[tl_v.at[0]], add=True)
      pltpu.sync_copy(ones_v.at[pl.ds(0, _TAIL)], cnt_s.at[tl_v.at[0]],
                      add=True)

    plsc.subcore_barrier()

    row = pl.ds(sid * _ZROWS, _ZROWS)
    pltpu.sync_copy(acc_s.at[row], sums_out.at[cid].at[row])
    pltpu.sync_copy(cnt_s.at[row], cnts_out.at[cid].at[row])

    @pl.when(wid < _B // _CHUNK)
    def _():
      boff = wid * _CHUNK
      pltpu.sync_copy(idx_hbm.at[pl.ds(boff, _CHUNK)], idx_v)
      pltpu.sync_copy(lbl_hbm.at[idx_v], tgt_v)
      pltpu.sync_copy(tgt_v, tgt_out.at[pl.ds(boff, _CHUNK)])

  return k(features, labels, lbl2d, indexes, zeros_d, zeros_c, ones_c)


_CBLK = 512


def _tc_body(x_ref, s_ref, c_ref, t_ref, o_ref, rs_acc, tv_acc):
  i = pl.program_id(0)
  x = x_ref[...]
  nrm = jnp.sqrt(jnp.sum(x * x, axis=1, keepdims=True))
  xn = x / jnp.maximum(nrm, 1e-12)
  s = s_ref[...]
  f = s[0] + s[1]
  c = c_ref[...]
  cnt = c[0, :, 0] + c[1, :, 0]
  inv = 1.0 / (_TEMP * jnp.where(cnt > 0, cnt, 1.0))
  vec = lax.dot_general(xn, f * inv[:, None], (((1,), (1,)), ((), ())),
                        preferred_element_type=jnp.float32)
  e = jnp.exp(vec) * (cnt > 0).astype(jnp.float32)[None, :]
  colid = i * _CBLK + lax.broadcasted_iota(jnp.int32, (_B, _CBLK), 1)
  tmask = (colid == t_ref[...]).astype(jnp.float32)
  ps = jnp.sum(e, axis=1, keepdims=True)
  pt = jnp.sum(e * tmask, axis=1, keepdims=True)

  @pl.when(i == 0)
  def _():
    rs_acc[...] = ps
    tv_acc[...] = pt

  @pl.when(i > 0)
  def _():
    rs_acc[...] += ps
    tv_acc[...] += pt

  @pl.when(i == pl.num_programs(0) - 1)
  def _():
    tot = rs_acc[...] + 1e-6
    logp = jnp.log(tv_acc[...] / tot + 1e-6)
    o_ref[...] = jnp.mean(-logp).reshape(1, 1)


def _tc_loss(results, sums, cnts, targets):
  return pl.pallas_call(
      _tc_body,
      grid=(_C // _CBLK,),
      in_specs=[
          pl.BlockSpec((_B, _D), lambda i: (0, 0)),
          pl.BlockSpec((2, _CBLK, _D), lambda i: (0, i, 0)),
          pl.BlockSpec((2, _CBLK, _CW), lambda i: (0, i, 0)),
          pl.BlockSpec((_B, 1), lambda i: (0, 0)),
      ],
      out_specs=pl.BlockSpec((1, 1), lambda i: (0, 0)),
      out_shape=jax.ShapeDtypeStruct((1, 1), jnp.float32),
      scratch_shapes=[
          pltpu.VMEM((_B, 1), jnp.float32),
          pltpu.VMEM((_B, 1), jnp.float32),
      ],
  )(results, sums, cnts, targets.reshape(_B, 1))


def kernel(results, indexes, features, labels):
  zeros_d = jnp.zeros((_ZROWS, _D), jnp.float32)
  zeros_c = jnp.zeros((_ZROWS, _CW), jnp.float32)
  ones_c = jnp.ones((_CHUNK, _CW), jnp.float32)
  labels = labels.astype(jnp.int32)
  lbl2d = lax.slice(labels, (0,), (_NFULL * _CHUNK,)).reshape(_NFULL, _CHUNK)
  sums, cnts, targets = _sc_segment_sum(
      features, labels, lbl2d, indexes.astype(jnp.int32),
      zeros_d, zeros_c, ones_c)
  out = _tc_loss(results, sums, cnts, targets)
  return out[0, 0]

# --- scband reference (transcript-rebuilt; emitter-appended) ---
"""Pipeline reference for scband-hybrid-memory-50706383896898 (READ-ONLY COPY).

The authoritative reference and input builder live on the scoring server;
editing this copy changes nothing except your own understanding.
"""

import jax, jax.numpy as jnp
import numpy as np

NUM_MEMORY = 100000
NUM_FEATURES = 64
NUM_CLUSTERS = 4096
BATCH = 1024
TEMP = 0.05

def _l2_normalize(x, axis=1, eps=1e-12):
    n = jnp.linalg.norm(x, axis=axis, keepdims=True)
    return x / jnp.maximum(n, eps)

def setup_inputs(seed: int = 0) -> dict:
    key = jax.random.key(seed)
    k1, k2, k3, k4 = jax.random.split(key, 4)
    results = jax.random.normal(k1, (BATCH, NUM_FEATURES), dtype=jnp.float32)
    indexes = jax.random.randint(k2, (BATCH,), 0, NUM_MEMORY, dtype=jnp.int32)
    features = jax.random.normal(k3, (NUM_MEMORY, NUM_FEATURES), dtype=jnp.float32)
    features = _l2_normalize(features, axis=1)
    labels = jax.random.randint(k4, (NUM_MEMORY,), 0, NUM_CLUSTERS, dtype=jnp.int32)
    return {"results": results, "indexes": indexes, "features": features, "labels": labels}

def reference(results, indexes, features, labels):
    # inputs = F.normalize(results, p=2, dim=1)
    inputs = _l2_normalize(results, axis=1)
    # hm custom autograd forward: inputs.mm(features.t()); memory EMA update is a
    # no-grad side effect and is omitted from the pure functional reference.
    sims = inputs @ features.T  # (B, M)
    sims = sims / TEMP
    B = sims.shape[0]
    C = NUM_CLUSTERS
    targets = labels[indexes]
    # sim.index_add_(0, labels, inputs.t())  -> segment sum of sims^T rows by label
    sim = jax.ops.segment_sum(sims.T, labels, num_segments=C)  # (C, B)
    nums = jax.ops.segment_sum(jnp.ones((NUM_MEMORY, 1), dtype=jnp.float32), labels, num_segments=C)  # (C, 1)
    mask = (nums > 0).astype(jnp.float32)  # (C, 1)
    sim = sim / (mask * nums + (1.0 - mask))
    mask_full = jnp.broadcast_to(mask, sim.shape)  # (C, B)
    # masked_softmax over clusters for each sample
    vec = sim.T  # (B, C)
    m = mask_full.T  # (B, C)
    exps = jnp.exp(vec)
    masked_exps = exps * m
    masked_sums = jnp.sum(masked_exps, axis=1, keepdims=True) + 1e-06
    masked_sim = masked_exps / masked_sums
    logp = jnp.log(masked_sim + 1e-06)
    # F.nll_loss(logp, targets) with mean reduction
    loss = -jnp.mean(logp[jnp.arange(B), targets])
    return loss

if __name__ == "__main__":
    import jax
    _d = setup_inputs()
    print(jax.jit(kernel)(*tuple(_d.values())))

</pallas_src>

<mosaic_0001>
#map = affine_map<(d0, d1) -> (0, 0)>
#map1 = affine_map<(d0, d1) -> (0)>
#map2 = affine_map<(d0, d1) -> (0, 0, 0)>
module attributes {stable_mosaic.version = 14 : i64} {
  func.func @k(%arg0: i32, %arg1: i32, %arg2: memref<100000x64xf32, #tpu.memory_space<hbm>>, %arg3: memref<100000xi32, #tpu.memory_space<hbm>>, %arg4: memref<781x128xi32, #tpu.memory_space<hbm>>, %arg5: memref<1024xi32, #tpu.memory_space<hbm>>, %arg6: memref<256x64xf32, #tpu.memory_space<hbm>>, %arg7: memref<256x16xf32, #tpu.memory_space<hbm>>, %arg8: memref<128x16xf32, #tpu.memory_space<hbm>>, %arg9: memref<2x4096x64xf32, #tpu.memory_space<hbm>>, %arg10: memref<2x4096x16xf32, #tpu.memory_space<hbm>>, %arg11: memref<1024xi32, #tpu.memory_space<hbm>>, %arg12: memref<25x128xi32, #tpu.memory_space<vmem>>, %arg13: memref<2x128x64xf32, #tpu.memory_space<vmem>>, %arg14: memref<128x16xf32, #tpu.memory_space<vmem>>, %arg15: memref<1x32xi32, #tpu.memory_space<vmem>>, %arg16: memref<32x64xf32, #tpu.memory_space<vmem>>, %arg17: memref<128xi32, #tpu.memory_space<vmem>>, %arg18: memref<128xi32, #tpu.memory_space<vmem>>, %arg19: memref<2x!tpu.dma_semaphore, #tpu.memory_space<semaphore_mem>>, %arg20: memref<4096x64xf32, #tpu.memory_space<vmem_shared>>, %arg21: memref<4096x16xf32, #tpu.memory_space<vmem_shared>>) attributes {dimension_semantics = [#tpu.dimension_semantics<core_parallel>, #tpu.dimension_semantics<subcore_parallel>], iteration_bounds = array<i64: 2, 16>, scalar_prefetch = 0 : i64, scratch_operands = 10 : i64, tpu.core_type = #tpu.core_type<sc_vector_subcore>, window_params = [{transform_indices = #map}, {transform_indices = #map1}, {transform_indices = #map}, {transform_indices = #map1}, {transform_indices = #map}, {transform_indices = #map}, {transform_indices = #map}, {transform_indices = #map2}, {transform_indices = #map2}, {transform_indices = #map1}]} {
    %mul3A = arith.constant 2 : i32
    %mul3A_0 = arith.muli %arg1, %mul3A : i32
    %add3A = arith.addi %mul3A_0, %arg0 : i32
    %mul3A_1 = arith.constant 24 : i32
    %mul3A_2 = arith.muli %mul3A_1, %add3A : i32
    %lt3A = arith.constant 13 : i32
    %lt3A_3 = arith.cmpi slt, %add3A, %lt3A : i32
    %convert_element_type3A = arith.extui %lt3A_3 : i1 to i32
    %add3A_4 = arith.constant 24 : i32
    %add3A_5 = arith.addi %add3A_4, %convert_element_type3A : i32
    %dma_start3A = arith.constant 0 : i32
    %dma_start3A_6 = arith.constant 0 : i32
    %dma_start3A_7 = arith.constant 0 : i32
    %dma_start3A_8 = tpu.memref_slice %arg12[%dma_start3A_6, %dma_start3A_7] : memref<25x128xi32, #tpu.memory_space<vmem>> -> memref<24x128xi32, #tpu.memory_space<vmem>>
    %dma_start3A_9 = arith.constant 0 : i32
    %dma_start3A_10 = tpu.memref_slice %arg4[%mul3A_2, %dma_start3A_9] : memref<781x128xi32, #tpu.memory_space<hbm>> -> memref<24x128xi32, #tpu.memory_space<hbm>>
    %dma_start3A_11 = tpu.memref_slice %arg19[%dma_start3A] : memref<2x!tpu.dma_semaphore, #tpu.memory_space<semaphore_mem>> -> memref<1x!tpu.dma_semaphore, #tpu.memory_space<semaphore_mem>>
    %dma_start3A_12 = tpu.memref_squeeze %dma_start3A_11 : memref<1x!tpu.dma_semaphore, #tpu.memory_space<semaphore_mem>> -> memref<!tpu.dma_semaphore, #tpu.memory_space<semaphore_mem>>
    %dma_start3A_13 = arith.constant 0 : i32
    %dma_start3A_14 = arith.constant 0 : i32
    %dma_start3A_15 = tpu.memref_slice %arg12[%dma_start3A_13, %dma_start3A_14] : memref<25x128xi32, #tpu.memory_space<vmem>> -> memref<24x128xi32, #tpu.memory_space<vmem>>
    %dma_start3A_16 = arith.constant 0 : i32
    %dma_start3A_17 = tpu.memref_slice %arg4[%mul3A_2, %dma_start3A_16] : memref<781x128xi32, #tpu.memory_space<hbm>> -> memref<24x128xi32, #tpu.memory_space<hbm>>
    tpu.enqueue_dma source(%dma_start3A_17 : memref<24x128xi32, #tpu.memory_space<hbm>>) target(%dma_start3A_15 : memref<24x128xi32, #tpu.memory_space<vmem>>) target_semaphore(%dma_start3A_12 : memref<!tpu.dma_semaphore, #tpu.memory_space<semaphore_mem>>)
    %mul3A_18 = arith.constant 256 : i32
    %mul3A_19 = arith.muli %arg1, %mul3A_18 : i32
    "tpu.region"() ({
      %run_scoped3A = tpu.sem_alloc : memref<!tpu.dma_semaphore, #tpu.memory_space<semaphore_mem>>
      %dma_start3A_60 = arith.constant 0 : i32
      %dma_start3A_61 = tpu.memref_slice %arg20[%mul3A_19, %dma_start3A_60] : memref<4096x64xf32, #tpu.memory_space<vmem_shared>> -> memref<256x64xf32, #tpu.memory_space<vmem_shared>>
      tpu.enqueue_dma source(%arg6 : memref<256x64xf32, #tpu.memory_space<hbm>>) target(%dma_start3A_61 : memref<256x64xf32, #tpu.memory_space<vmem_shared>>) target_semaphore(%run_scoped3A : memref<!tpu.dma_semaphore, #tpu.memory_space<semaphore_mem>>)
      %dma_wait3A_62 = arith.constant 0 : i32
      %dma_wait3A_63 = tpu.memref_slice %arg20[%mul3A_19, %dma_wait3A_62] : memref<4096x64xf32, #tpu.memory_space<vmem_shared>> -> memref<256x64xf32, #tpu.memory_space<vmem_shared>>
      tpu.wait_dma2 semaphore(%run_scoped3A : memref<!tpu.dma_semaphore, #tpu.memory_space<semaphore_mem>>) src(%arg6 : memref<256x64xf32, #tpu.memory_space<hbm>>) dst(%dma_wait3A_63 : memref<256x64xf32, #tpu.memory_space<vmem_shared>>)
      tpu.yield
    }) : () -> ()
    %mul3A_20 = arith.constant 256 : i32
    %mul3A_21 = arith.muli %arg1, %mul3A_20 : i32
    "tpu.region"() ({
      %run_scoped3A = tpu.sem_alloc : memref<!tpu.dma_semaphore, #tpu.memory_space<semaphore_mem>>
      %dma_start3A_60 = arith.constant 0 : i32
      %dma_start3A_61 = tpu.memref_slice %arg21[%mul3A_21, %dma_start3A_60] : memref<4096x16xf32, #tpu.memory_space<vmem_shared>> -> memref<256x16xf32, #tpu.memory_space<vmem_shared>>
      tpu.enqueue_dma source(%arg7 : memref<256x16xf32, #tpu.memory_space<hbm>>) target(%dma_start3A_61 : memref<256x16xf32, #tpu.memory_space<vmem_shared>>) target_semaphore(%run_scoped3A : memref<!tpu.dma_semaphore, #tpu.memory_space<semaphore_mem>>)
      %dma_wait3A_62 = arith.constant 0 : i32
      %dma_wait3A_63 = tpu.memref_slice %arg21[%mul3A_21, %dma_wait3A_62] : memref<4096x16xf32, #tpu.memory_space<vmem_shared>> -> memref<256x16xf32, #tpu.memory_space<vmem_shared>>
      tpu.wait_dma2 semaphore(%run_scoped3A : memref<!tpu.dma_semaphore, #tpu.memory_space<semaphore_mem>>) src(%arg7 : memref<256x16xf32, #tpu.memory_space<hbm>>) dst(%dma_wait3A_63 : memref<256x16xf32, #tpu.memory_space<vmem_shared>>)
      tpu.yield
    }) : () -> ()
    "tpu.region"() ({
      %run_scoped3A = tpu.sem_alloc : memref<!tpu.dma_semaphore, #tpu.memory_space<semaphore_mem>>
      tpu.enqueue_dma source(%arg8 : memref<128x16xf32, #tpu.memory_space<hbm>>) target(%arg14 : memref<128x16xf32, #tpu.memory_space<vmem>>) target_semaphore(%run_scoped3A : memref<!tpu.dma_semaphore, #tpu.memory_space<semaphore_mem>>)
      tpu.wait_dma2 semaphore(%run_scoped3A : memref<!tpu.dma_semaphore, #tpu.memory_space<semaphore_mem>>) src(%arg8 : memref<128x16xf32, #tpu.memory_space<hbm>>) dst(%arg14 : memref<128x16xf32, #tpu.memory_space<vmem>>)
      tpu.yield
    }) : () -> ()
    %dma_wait3A = arith.constant 0 : i32
    %dma_wait3A_22 = arith.constant 0 : i32
    %dma_wait3A_23 = arith.constant 0 : i32
    %dma_wait3A_24 = tpu.memref_slice %arg12[%dma_wait3A_22, %dma_wait3A_23] : memref<25x128xi32, #tpu.memory_space<vmem>> -> memref<24x128xi32, #tpu.memory_space<vmem>>
    %dma_wait3A_25 = arith.constant 0 : i32
    %dma_wait3A_26 = tpu.memref_slice %arg4[%mul3A_2, %dma_wait3A_25] : memref<781x128xi32, #tpu.memory_space<hbm>> -> memref<24x128xi32, #tpu.memory_space<hbm>>
    %dma_wait3A_27 = tpu.memref_slice %arg19[%dma_wait3A] : memref<2x!tpu.dma_semaphore, #tpu.memory_space<semaphore_mem>> -> memref<1x!tpu.dma_semaphore, #tpu.memory_space<semaphore_mem>>
    %dma_wait3A_28 = tpu.memref_squeeze %dma_wait3A_27 : memref<1x!tpu.dma_semaphore, #tpu.memory_space<semaphore_mem>> -> memref<!tpu.dma_semaphore, #tpu.memory_space<semaphore_mem>>
    %dma_wait3A_29 = arith.constant 0 : i32
    %dma_wait3A_30 = arith.constant 0 : i32
    %dma_wait3A_31 = tpu.memref_slice %arg12[%dma_wait3A_29, %dma_wait3A_30] : memref<25x128xi32, #tpu.memory_space<vmem>> -> memref<24x128xi32, #tpu.memory_space<vmem>>
    %dma_wait3A_32 = arith.constant 0 : i32
    %dma_wait3A_33 = tpu.memref_slice %arg4[%mul3A_2, %dma_wait3A_32] : memref<781x128xi32, #tpu.memory_space<hbm>> -> memref<24x128xi32, #tpu.memory_space<hbm>>
    tpu.wait_dma2 semaphore(%dma_wait3A_28 : memref<!tpu.dma_semaphore, #tpu.memory_space<semaphore_mem>>) src(%dma_wait3A_33 : memref<24x128xi32, #tpu.memory_space<hbm>>) dst(%dma_wait3A_31 : memref<24x128xi32, #tpu.memory_space<vmem>>)
    %lt3A_34 = arith.constant 13 : i32
    %lt3A_35 = arith.cmpi slt, %add3A, %lt3A_34 : i32
    %convert_element_type3A_36 = arith.extui %lt3A_35 : i1 to i32
    %cond3A = arith.constant 0 : i32
    %cond3A_37 = arith.cmpi ne, %convert_element_type3A_36, %cond3A : i32
    scf.if %cond3A_37 {
      %add3A_60 = arith.constant 768 : i32
      %add3A_61 = arith.addi %add3A_60, %add3A : i32
      %mul3A_62 = arith.constant 128 : i32
      %mul3A_63 = arith.muli %add3A_61, %mul3A_62 : i32
      %run_scoped3A = arith.constant 24 : i32
      "tpu.region"() ({
        %run_scoped3A_64 = tpu.sem_alloc : memref<!tpu.dma_semaphore, #tpu.memory_space<semaphore_mem>>
        %dma_start3A_65 = arith.constant 0 : i32
        %dma_start3A_66 = tpu.memref_slice %arg12[%run_scoped3A, %dma_start3A_65] : memref<25x128xi32, #tpu.memory_space<vmem>> -> memref<1x128xi32, #tpu.memory_space<vmem>>
        %dma_start3A_67 = tpu.memref_squeeze %dma_start3A_66 : memref<1x128xi32, #tpu.memory_space<vmem>> -> memref<128xi32, #tpu.memory_space<vmem>>
        %dma_start3A_68 = tpu.memref_slice %arg3[%mul3A_63] : memref<100000xi32, #tpu.memory_space<hbm>> -> memref<128xi32, #tpu.memory_space<hbm>>
        %dma_start3A_69 = arith.constant 0 : i32
        %dma_start3A_70 = tpu.memref_slice %arg12[%run_scoped3A, %dma_start3A_69] : memref<25x128xi32, #tpu.memory_space<vmem>> -> memref<1x128xi32, #tpu.memory_space<vmem>>
        %dma_start3A_71 = tpu.memref_squeeze %dma_start3A_70 : memref<1x128xi32, #tpu.memory_space<vmem>> -> memref<128xi32, #tpu.memory_space<vmem>>
        %dma_start3A_72 = tpu.memref_slice %arg3[%mul3A_63] : memref<100000xi32, #tpu.memory_space<hbm>> -> memref<128xi32, #tpu.memory_space<hbm>>
        tpu.enqueue_dma source(%dma_start3A_72 : memref<128xi32, #tpu.memory_space<hbm>>) target(%dma_start3A_71 : memref<128xi32, #tpu.memory_space<vmem>>) target_semaphore(%run_scoped3A_64 : memref<!tpu.dma_semaphore, #tpu.memory_space<semaphore_mem>>)
        %dma_wait3A_73 = arith.constant 0 : i32
        %dma_wait3A_74 = tpu.memref_slice %arg12[%run_scoped3A, %dma_wait3A_73] : memref<25x128xi32, #tpu.memory_space<vmem>> -> memref<1x128xi32, #tpu.memory_space<vmem>>
        %dma_wait3A_75 = tpu.memref_squeeze %dma_wait3A_74 : memref<1x128xi32, #tpu.memory_space<vmem>> -> memref<128xi32, #tpu.memory_space<vmem>>
        %dma_wait3A_76 = tpu.memref_slice %arg3[%mul3A_63] : memref<100000xi32, #tpu.memory_space<hbm>> -> memref<128xi32, #tpu.memory_space<hbm>>
        %dma_wait3A_77 = arith.constant 0 : i32
        %dma_wait3A_78 = tpu.memref_slice %arg12[%run_scoped3A, %dma_wait3A_77] : memref<25x128xi32, #tpu.memory_space<vmem>> -> memref<1x128xi32, #tpu.memory_space<vmem>>
        %dma_wait3A_79 = tpu.memref_squeeze %dma_wait3A_78 : memref<1x128xi32, #tpu.memory_space<vmem>> -> memref<128xi32, #tpu.memory_space<vmem>>
        %dma_wait3A_80 = tpu.memref_slice %arg3[%mul3A_63] : memref<100000xi32, #tpu.memory_space<hbm>> -> memref<128xi32, #tpu.memory_space<hbm>>
        tpu.wait_dma2 semaphore(%run_scoped3A_64 : memref<!tpu.dma_semaphore, #tpu.memory_space<semaphore_mem>>) src(%dma_wait3A_80 : memref<128xi32, #tpu.memory_space<hbm>>) dst(%dma_wait3A_79 : memref<128xi32, #tpu.memory_space<vmem>>)
        tpu.yield
      }) : () -> ()
    } else {
    }
    %barrier3A = arith.constant 0 : index
    tpu.barrier barrier_id(%barrier3A)
    %gt3A = arith.constant 0 : i32
    %gt3A_38 = arith.cmpi sgt, %add3A_5, %gt3A : i32
    %and3A = arith.constant true
    %and3A_39 = arith.andi %and3A, %gt3A_38 : i1
    %convert_element_type3A_40 = arith.extui %and3A_39 : i1 to i32
    %cond3A_41 = arith.constant 0 : i32
    %cond3A_42 = arith.cmpi ne, %convert_element_type3A_40, %cond3A_41 : i32
    scf.if %cond3A_42 {
      %add3A_60 = arith.constant 0 : i32
      %add3A_61 = arith.addi %mul3A_2, %add3A_60 : i32
      %add3A_62 = arith.constant 768 : i32
      %add3A_63 = arith.addi %add3A_62, %add3A : i32
      %jit3A = arith.constant true
      %select_n3A = arith.select %jit3A, %add3A_61, %add3A_63 : i32
      %mul3A_64 = arith.constant 128 : i32
      %mul3A_65 = arith.muli %select_n3A, %mul3A_64 : i32
      %dma_start3A_66 = arith.constant 0 : i32
      %dma_start3A_67 = arith.constant 0 : i32
      %dma_start3A_68 = arith.constant 0 : i32
      %dma_start3A_69 = arith.constant 0 : i32
      %dma_start3A_70 = tpu.memref_slice %arg13[%dma_start3A_66, %dma_start3A_68, %dma_start3A_69] : memref<2x128x64xf32, #tpu.memory_space<vmem>> -> memref<1x128x64xf32, #tpu.memory_space<vmem>>
      %dma_start3A_71 = tpu.memref_squeeze %dma_start3A_70 : memref<1x128x64xf32, #tpu.memory_space<vmem>> -> memref<128x64xf32, #tpu.memory_space<vmem>>
      %dma_start3A_72 = arith.constant 0 : i32
      %dma_start3A_73 = tpu.memref_slice %arg2[%mul3A_65, %dma_start3A_72] : memref<100000x64xf32, #tpu.memory_space<hbm>> -> memref<128x64xf32, #tpu.memory_space<hbm>>
      %dma_start3A_74 = tpu.memref_slice %arg19[%dma_start3A_67] : memref<2x!tpu.dma_semaphore, #tpu.memory_space<semaphore_mem>> -> memref<1x!tpu.dma_semaphore, #tpu.memory_space<semaphore_mem>>
      %dma_start3A_75 = tpu.memref_squeeze %dma_start3A_74 : memref<1x!tpu.dma_semaphore, #tpu.memory_space<semaphore_mem>> -> memref<!tpu.dma_semaphore, #tpu.memory_space<semaphore_mem>>
      %dma_start3A_76 = arith.constant 0 : i32
      %dma_start3A_77 = arith.constant 0 : i32
      %dma_start3A_78 = tpu.memref_slice %arg13[%dma_start3A_66, %dma_start3A_76, %dma_start3A_77] : memref<2x128x64xf32, #tpu.memory_space<vmem>> -> memref<1x128x64xf32, #tpu.memory_space<vmem>>
      %dma_start3A_79 = tpu.memref_squeeze %dma_start3A_78 : memref<1x128x64xf32, #tpu.memory_space<vmem>> -> memref<128x64xf32, #tpu.memory_space<vmem>>
      %dma_start3A_80 = arith.constant 0 : i32
      %dma_start3A_81 = tpu.memref_slice %arg2[%mul3A_65, %dma_start3A_80] : memref<100000x64xf32, #tpu.memory_space<hbm>> -> memref<128x64xf32, #tpu.memory_space<hbm>>
      tpu.enqueue_dma source(%dma_start3A_81 : memref<128x64xf32, #tpu.memory_space<hbm>>) target(%dma_start3A_79 : memref<128x64xf32, #tpu.memory_space<vmem>>) target_semaphore(%dma_start3A_75 : memref<!tpu.dma_semaphore, #tpu.memory_space<semaphore_mem>>)
    } else {
    }
    %scan3A = arith.constant 0 : i32
    %scan3A_43 = arith.constant 0 : i32
    %scan3A_44 = arith.constant 13 : i32
    %scan3A_45 = arith.addi %scan3A_43, %scan3A_44 : i32
    %scan3A_46 = arith.constant 1 : i32
    scf.for %scan3A_60 = %scan3A_43 to %scan3A_45 step %scan3A_46  : i32 {
      %mul3A_61 = arith.constant 2 : i32
      %mul3A_62 = arith.muli %mul3A_61, %scan3A_60 : i32
      %add3A_63 = arith.constant 0 : i32
      %add3A_64 = arith.addi %mul3A_62, %add3A_63 : i32
      %add3A_65 = arith.constant 1 : i32
      %add3A_66 = arith.addi %add3A_64, %add3A_65 : i32
      %ge3A = arith.constant 0 : i32
      %ge3A_67 = arith.cmpi sge, %add3A_66, %ge3A : i32
      %lt3A_68 = arith.cmpi slt, %add3A_66, %add3A_5 : i32
      %and3A_69 = arith.andi %ge3A_67, %lt3A_68 : i1
      %convert_element_type3A_70 = arith.extui %and3A_69 : i1 to i32
      %cond3A_71 = arith.constant 0 : i32
      %cond3A_72 = arith.cmpi ne, %convert_element_type3A_70, %cond3A_71 : i32
      scf.if %cond3A_72 {
        %add3A_100 = arith.constant 1 : i32
        %add3A_101 = arith.addi %add3A_64, %add3A_100 : i32
        %lt3A_102 = arith.constant 24 : i32
        %lt3A_103 = arith.cmpi slt, %add3A_101, %lt3A_102 : i32
        %add3A_104 = arith.addi %mul3A_2, %add3A_101 : i32
        %add3A_105 = arith.constant 768 : i32
        %add3A_106 = arith.addi %add3A_105, %add3A : i32
        %select_n3A = arith.select %lt3A_103, %add3A_104, %add3A_106 : i32
        %mul3A_107 = arith.constant 128 : i32
        %mul3A_108 = arith.muli %select_n3A, %mul3A_107 : i32
        %dma_start3A_109 = arith.constant 1 : i32
        %dma_start3A_110 = arith.constant 1 : i32
        %dma_start3A_111 = arith.constant 0 : i32
        %dma_start3A_112 = arith.constant 0 : i32
        %dma_start3A_113 = tpu.memref_slice %arg13[%dma_start3A_109, %dma_start3A_111, %dma_start3A_112] : memref<2x128x64xf32, #tpu.memory_space<vmem>> -> memref<1x128x64xf32, #tpu.memory_space<vmem>>
        %dma_start3A_114 = tpu.memref_squeeze %dma_start3A_113 : memref<1x128x64xf32, #tpu.memory_space<vmem>> -> memref<128x64xf32, #tpu.memory_space<vmem>>
        %dma_start3A_115 = arith.constant 0 : i32
        %dma_start3A_116 = tpu.memref_slice %arg2[%mul3A_108, %dma_start3A_115] : memref<100000x64xf32, #tpu.memory_space<hbm>> -> memref<128x64xf32, #tpu.memory_space<hbm>>
        %dma_start3A_117 = tpu.memref_slice %arg19[%dma_start3A_110] : memref<2x!tpu.dma_semaphore, #tpu.memory_space<semaphore_mem>> -> memref<1x!tpu.dma_semaphore, #tpu.memory_space<semaphore_mem>>
        %dma_start3A_118 = tpu.memref_squeeze %dma_start3A_117 : memref<1x!tpu.dma_semaphore, #tpu.memory_space<semaphore_mem>> -> memref<!tpu.dma_semaphore, #tpu.memory_space<semaphore_mem>>
        %dma_start3A_119 = arith.constant 0 : i32
        %dma_start3A_120 = arith.constant 0 : i32
        %dma_start3A_121 = tpu.memref_slice %arg13[%dma_start3A_109, %dma_start3A_119, %dma_start3A_120] : memref<2x128x64xf32, #tpu.memory_space<vmem>> -> memref<1x128x64xf32, #tpu.memory_space<vmem>>
        %dma_start3A_122 = tpu.memref_squeeze %dma_start3A_121 : memref<1x128x64xf32, #tpu.memory_space<vmem>> -> memref<128x64xf32, #tpu.memory_space<vmem>>
        %dma_start3A_123 = arith.constant 0 : i32
        %dma_start3A_124 = tpu.memref_slice %arg2[%mul3A_108, %dma_start3A_123] : memref<100000x64xf32, #tpu.memory_space<hbm>> -> memref<128x64xf32, #tpu.memory_space<hbm>>
        tpu.enqueue_dma source(%dma_start3A_124 : memref<128x64xf32, #tpu.memory_space<hbm>>) target(%dma_start3A_122 : memref<128x64xf32, #tpu.memory_space<vmem>>) target_semaphore(%dma_start3A_118 : memref<!tpu.dma_semaphore, #tpu.memory_space<semaphore_mem>>)
      } else {
      }
      %ge3A_73 = arith.constant 0 : i32
      %ge3A_74 = arith.cmpi sge, %add3A_64, %ge3A_73 : i32
      %lt3A_75 = arith.cmpi slt, %add3A_64, %add3A_5 : i32
      %and3A_76 = arith.andi %ge3A_74, %lt3A_75 : i1
      %convert_element_type3A_77 = arith.extui %and3A_76 : i1 to i32
      %cond3A_78 = arith.constant 0 : i32
      %cond3A_79 = arith.cmpi ne, %convert_element_type3A_77, %cond3A_78 : i32
      scf.if %cond3A_79 {
        %lt3A_100 = arith.constant 24 : i32
        %lt3A_101 = arith.cmpi slt, %add3A_64, %lt3A_100 : i32
        %add3A_102 = arith.addi %mul3A_2, %add3A_64 : i32
        %add3A_103 = arith.constant 768 : i32
        %add3A_104 = arith.addi %add3A_103, %add3A : i32
        %select_n3A = arith.select %lt3A_101, %add3A_102, %add3A_104 : i32
        %mul3A_105 = arith.constant 128 : i32
        %mul3A_106 = arith.muli %select_n3A, %mul3A_105 : i32
        %dma_wait3A_107 = arith.constant 0 : i32
        %dma_wait3A_108 = arith.constant 0 : i32
        %dma_wait3A_109 = arith.constant 0 : i32
        %dma_wait3A_110 = arith.constant 0 : i32
        %dma_wait3A_111 = tpu.memref_slice %arg13[%dma_wait3A_107, %dma_wait3A_109, %dma_wait3A_110] : memref<2x128x64xf32, #tpu.memory_space<vmem>> -> memref<1x128x64xf32, #tpu.memory_space<vmem>>
        %dma_wait3A_112 = tpu.memref_squeeze %dma_wait3A_111 : memref<1x128x64xf32, #tpu.memory_space<vmem>> -> memref<128x64xf32, #tpu.memory_space<vmem>>
        %dma_wait3A_113 = arith.constant 0 : i32
        %dma_wait3A_114 = tpu.memref_slice %arg2[%mul3A_106, %dma_wait3A_113] : memref<100000x64xf32, #tpu.memory_space<hbm>> -> memref<128x64xf32, #tpu.memory_space<hbm>>
        %dma_wait3A_115 = tpu.memref_slice %arg19[%dma_wait3A_108] : memref<2x!tpu.dma_semaphore, #tpu.memory_space<semaphore_mem>> -> memref<1x!tpu.dma_semaphore, #tpu.memory_space<semaphore_mem>>
        %dma_wait3A_116 = tpu.memref_squeeze %dma_wait3A_115 : memref<1x!tpu.dma_semaphore, #tpu.memory_space<semaphore_mem>> -> memref<!tpu.dma_semaphore, #tpu.memory_space<semaphore_mem>>
        %dma_wait3A_117 = arith.constant 0 : i32
        %dma_wait3A_118 = arith.constant 0 : i32
        %dma_wait3A_119 = tpu.memref_slice %arg13[%dma_wait3A_107, %dma_wait3A_117, %dma_wait3A_118] : memref<2x128x64xf32, #tpu.memory_space<vmem>> -> memref<1x128x64xf32, #tpu.memory_space<vmem>>
        %dma_wait3A_120 = tpu.memref_squeeze %dma_wait3A_119 : memref<1x128x64xf32, #tpu.memory_space<vmem>> -> memref<128x64xf32, #tpu.memory_space<vmem>>
        %dma_wait3A_121 = arith.constant 0 : i32
        %dma_wait3A_122 = tpu.memref_slice %arg2[%mul3A_106, %dma_wait3A_121] : memref<100000x64xf32, #tpu.memory_space<hbm>> -> memref<128x64xf32, #tpu.memory_space<hbm>>
        tpu.wait_dma2 semaphore(%dma_wait3A_116 : memref<!tpu.dma_semaphore, #tpu.memory_space<semaphore_mem>>) src(%dma_wait3A_122 : memref<128x64xf32, #tpu.memory_space<hbm>>) dst(%dma_wait3A_120 : memref<128x64xf32, #tpu.memory_space<vmem>>)
        %run_scoped3A = arith.constant 0 : i32
        "tpu.region"() ({
          %run_scoped3A_123 = tpu.sem_alloc : memref<!tpu.dma_semaphore, #tpu.memory_space<semaphore_mem>>
          %dma_start3A_124 = arith.constant 0 : i32
          %dma_start3A_125 = arith.constant 0 : i32
          %dma_start3A_126 = tpu.memref_slice %arg13[%run_scoped3A, %dma_start3A_124, %dma_start3A_125] : memref<2x128x64xf32, #tpu.memory_space<vmem>> -> memref<1x128x64xf32, #tpu.memory_space<vmem>>
          %dma_start3A_127 = tpu.memref_squeeze %dma_start3A_126 : memref<1x128x64xf32, #tpu.memory_space<vmem>> -> memref<128x64xf32, #tpu.memory_space<vmem>>
          %dma_start3A_128 = arith.constant 0 : i32
          %dma_start3A_129 = tpu.memref_slice %arg12[%add3A_64, %dma_start3A_128] : memref<25x128xi32, #tpu.memory_space<vmem>> -> memref<1x128xi32, #tpu.memory_space<vmem>>
          %dma_start3A_130 = tpu.memref_squeeze %dma_start3A_129 : memref<1x128xi32, #tpu.memory_space<vmem>> -> memref<128xi32, #tpu.memory_space<vmem>>
          %dma_start3A_131 = arith.constant 0 : i32
          %dma_start3A_132 = arith.constant 0 : i32
          %dma_start3A_133 = tpu.memref_slice %arg20[%dma_start3A_131, %dma_start3A_132] : memref<4096x64xf32, #tpu.memory_space<vmem_shared>> -> memref<4096x64xf32, #tpu.memory_space<vmem_shared>>
          tpu.enqueue_indirect_dma source(%dma_start3A_127 : memref<128x64xf32, #tpu.memory_space<vmem>>) target(%dma_start3A_133 : memref<4096x64xf32, #tpu.memory_space<vmem_shared>>) offsets(%dma_start3A_130 : memref<128xi32, #tpu.memory_space<vmem>>) semaphore(%run_scoped3A_123 : memref<!tpu.dma_semaphore, #tpu.memory_space<semaphore_mem>>) {add = true}
          %dma_wait3A_134 = arith.constant 0 : i32
          %dma_wait3A_135 = arith.constant 0 : i32
          %dma_wait3A_136 = tpu.memref_slice %arg13[%run_scoped3A, %dma_wait3A_134, %dma_wait3A_135] : memref<2x128x64xf32, #tpu.memory_space<vmem>> -> memref<1x128x64xf32, #tpu.memory_space<vmem>>
          %dma_wait3A_137 = tpu.memref_squeeze %dma_wait3A_136 : memref<1x128x64xf32, #tpu.memory_space<vmem>> -> memref<128x64xf32, #tpu.memory_space<vmem>>
          %dma_wait3A_138 = arith.constant 0 : i32
          %dma_wait3A_139 = tpu.memref_slice %arg12[%add3A_64, %dma_wait3A_138] : memref<25x128xi32, #tpu.memory_space<vmem>> -> memref<1x128xi32, #tpu.memory_space<vmem>>
          %dma_wait3A_140 = tpu.memref_squeeze %dma_wait3A_139 : memref<1x128xi32, #tpu.memory_space<vmem>> -> memref<128xi32, #tpu.memory_space<vmem>>
          %dma_wait3A_141 = arith.constant 0 : i32
          %dma_wait3A_142 = arith.constant 0 : i32
          %dma_wait3A_143 = tpu.memref_slice %arg20[%dma_wait3A_141, %dma_wait3A_142] : memref<4096x64xf32, #tpu.memory_space<vmem_shared>> -> memref<4096x64xf32, #tpu.memory_space<vmem_shared>>
          tpu.wait_indirect_dma semaphore(%run_scoped3A_123 : memref<!tpu.dma_semaphore, #tpu.memory_space<semaphore_mem>>) src(%dma_wait3A_137 : memref<128x64xf32, #tpu.memory_space<vmem>>) dst(%dma_wait3A_143 : memref<4096x64xf32, #tpu.memory_space<vmem_shared>>)
          tpu.yield
        }) : () -> ()
        "tpu.region"() ({
          %run_scoped3A_123 = tpu.sem_alloc : memref<!tpu.dma_semaphore, #tpu.memory_space<semaphore_mem>>
          %dma_start3A_124 = arith.constant 0 : i32
          %dma_start3A_125 = tpu.memref_slice %arg12[%add3A_64, %dma_start3A_124] : memref<25x128xi32, #tpu.memory_space<vmem>> -> memref<1x128xi32, #tpu.memory_space<vmem>>
          %dma_start3A_126 = tpu.memref_squeeze %dma_start3A_125 : memref<1x128xi32, #tpu.memory_space<vmem>> -> memref<128xi32, #tpu.memory_space<vmem>>
          %dma_start3A_127 = arith.constant 0 : i32
          %dma_start3A_128 = arith.constant 0 : i32
          %dma_start3A_129 = tpu.memref_slice %arg21[%dma_start3A_127, %dma_start3A_128] : memref<4096x16xf32, #tpu.memory_space<vmem_shared>> -> memref<4096x16xf32, #tpu.memory_space<vmem_shared>>
          tpu.enqueue_indirect_dma source(%arg14 : memref<128x16xf32, #tpu.memory_space<vmem>>) target(%dma_start3A_129 : memref<4096x16xf32, #tpu.memory_space<vmem_shared>>) offsets(%dma_start3A_126 : memref<128xi32, #tpu.memory_space<vmem>>) semaphore(%run_scoped3A_123 : memref<!tpu.dma_semaphore, #tpu.memory_space<semaphore_mem>>) {add = true}
          %dma_wait3A_130 = arith.constant 0 : i32
          %dma_wait3A_131 = tpu.memref_slice %arg12[%add3A_64, %dma_wait3A_130] : memref<25x128xi32, #tpu.memory_space<vmem>> -> memref<1x128xi32, #tpu.memory_space<vmem>>
          %dma_wait3A_132 = tpu.memref_squeeze %dma_wait3A_131 : memref<1x128xi32, #tpu.memory_space<vmem>> -> memref<128xi32, #tpu.memory_space<vmem>>
          %dma_wait3A_133 = arith.constant 0 : i32
          %dma_wait3A_134 = arith.constant 0 : i32
          %dma_wait3A_135 = tpu.memref_slice %arg21[%dma_wait3A_133, %dma_wait3A_134] : memref<4096x16xf32, #tpu.memory_space<vmem_shared>> -> memref<4096x16xf32, #tpu.memory_space<vmem_shared>>
          tpu.wait_indirect_dma semaphore(%run_scoped3A_123 : memref<!tpu.dma_semaphore, #tpu.memory_space<semaphore_mem>>) src(%arg14 : memref<128x16xf32, #tpu.memory_space<vmem>>) dst(%dma_wait3A_135 : memref<4096x16xf32, #tpu.memory_space<vmem_shared>>)
          tpu.yield
        }) : () -> ()
      } else {
      }
      %mul3A_80 = arith.constant 2 : i32
      %mul3A_81 = arith.muli %mul3A_80, %scan3A_60 : i32
      %add3A_82 = arith.constant 1 : i32
      %add3A_83 = arith.addi %mul3A_81, %add3A_82 : i32
      %add3A_84 = arith.constant 1 : i32
      %add3A_85 = arith.addi %add3A_83, %add3A_84 : i32
      %ge3A_86 = arith.constant 0 : i32
      %ge3A_87 = arith.cmpi sge, %add3A_85, %ge3A_86 : i32
      %lt3A_88 = arith.cmpi slt, %add3A_85, %add3A_5 : i32
      %and3A_89 = arith.andi %ge3A_87, %lt3A_88 : i1
      %convert_element_type3A_90 = arith.extui %and3A_89 : i1 to i32
      %cond3A_91 = arith.constant 0 : i32
      %cond3A_92 = arith.cmpi ne, %convert_element_type3A_90, %cond3A_91 : i32
      scf.if %cond3A_92 {
        %add3A_100 = arith.constant 1 : i32
        %add3A_101 = arith.addi %add3A_83, %add3A_100 : i32
        %lt3A_102 = arith.constant 24 : i32
        %lt3A_103 = arith.cmpi slt, %add3A_101, %lt3A_102 : i32
        %add3A_104 = arith.addi %mul3A_2, %add3A_101 : i32
        %add3A_105 = arith.constant 768 : i32
        %add3A_106 = arith.addi %add3A_105, %add3A : i32
        %select_n3A = arith.select %lt3A_103, %add3A_104, %add3A_106 : i32
        %mul3A_107 = arith.constant 128 : i32
        %mul3A_108 = arith.muli %select_n3A, %mul3A_107 : i32
        %dma_start3A_109 = arith.constant 0 : i32
        %dma_start3A_110 = arith.constant 0 : i32
        %dma_start3A_111 = arith.constant 0 : i32
        %dma_start3A_112 = arith.constant 0 : i32
        %dma_start3A_113 = tpu.memref_slice %arg13[%dma_start3A_109, %dma_start3A_111, %dma_start3A_112] : memref<2x128x64xf32, #tpu.memory_space<vmem>> -> memref<1x128x64xf32, #tpu.memory_space<vmem>>
        %dma_start3A_114 = tpu.memref_squeeze %dma_start3A_113 : memref<1x128x64xf32, #tpu.memory_space<vmem>> -> memref<128x64xf32, #tpu.memory_space<vmem>>
        %dma_start3A_115 = arith.constant 0 : i32
        %dma_start3A_116 = tpu.memref_slice %arg2[%mul3A_108, %dma_start3A_115] : memref<100000x64xf32, #tpu.memory_space<hbm>> -> memref<128x64xf32, #tpu.memory_space<hbm>>
        %dma_start3A_117 = tpu.memref_slice %arg19[%dma_start3A_110] : memref<2x!tpu.dma_semaphore, #tpu.memory_space<semaphore_mem>> -> memref<1x!tpu.dma_semaphore, #tpu.memory_space<semaphore_mem>>
        %dma_start3A_118 = tpu.memref_squeeze %dma_start3A_117 : memref<1x!tpu.dma_semaphore, #tpu.memory_space<semaphore_mem>> -> memref<!tpu.dma_semaphore, #tpu.memory_space<semaphore_mem>>
        %dma_start3A_119 = arith.constant 0 : i32
        %dma_start3A_120 = arith.constant 0 : i32
        %dma_start3A_121 = tpu.memref_slice %arg13[%dma_start3A_109, %dma_start3A_119, %dma_start3A_120] : memref<2x128x64xf32, #tpu.memory_space<vmem>> -> memref<1x128x64xf32, #tpu.memory_space<vmem>>
        %dma_start3A_122 = tpu.memref_squeeze %dma_start3A_121 : memref<1x128x64xf32, #tpu.memory_space<vmem>> -> memref<128x64xf32, #tpu.memory_space<vmem>>
        %dma_start3A_123 = arith.constant 0 : i32
        %dma_start3A_124 = tpu.memref_slice %arg2[%mul3A_108, %dma_start3A_123] : memref<100000x64xf32, #tpu.memory_space<hbm>> -> memref<128x64xf32, #tpu.memory_space<hbm>>
        tpu.enqueue_dma source(%dma_start3A_124 : memref<128x64xf32, #tpu.memory_space<hbm>>) target(%dma_start3A_122 : memref<128x64xf32, #tpu.memory_space<vmem>>) target_semaphore(%dma_start3A_118 : memref<!tpu.dma_semaphore, #tpu.memory_space<semaphore_mem>>)
      } else {
      }
      %ge3A_93 = arith.constant 0 : i32
      %ge3A_94 = arith.cmpi sge, %add3A_83, %ge3A_93 : i32
      %lt3A_95 = arith.cmpi slt, %add3A_83, %add3A_5 : i32
      %and3A_96 = arith.andi %ge3A_94, %lt3A_95 : i1
      %convert_element_type3A_97 = arith.extui %and3A_96 : i1 to i32
      %cond3A_98 = arith.constant 0 : i32
      %cond3A_99 = arith.cmpi ne, %convert_element_type3A_97, %cond3A_98 : i32
      scf.if %cond3A_99 {
        %lt3A_100 = arith.constant 24 : i32
        %lt3A_101 = arith.cmpi slt, %add3A_83, %lt3A_100 : i32
        %add3A_102 = arith.addi %mul3A_2, %add3A_83 : i32
        %add3A_103 = arith.constant 768 : i32
        %add3A_104 = arith.addi %add3A_103, %add3A : i32
        %select_n3A = arith.select %lt3A_101, %add3A_102, %add3A_104 : i32
        %mul3A_105 = arith.constant 128 : i32
        %mul3A_106 = arith.muli %select_n3A, %mul3A_105 : i32
        %dma_wait3A_107 = arith.constant 1 : i32
        %dma_wait3A_108 = arith.constant 1 : i32
        %dma_wait3A_109 = arith.constant 0 : i32
        %dma_wait3A_110 = arith.constant 0 : i32
        %dma_wait3A_111 = tpu.memref_slice %arg13[%dma_wait3A_107, %dma_wait3A_109, %dma_wait3A_110] : memref<2x128x64xf32, #tpu.memory_space<vmem>> -> memref<1x128x64xf32, #tpu.memory_space<vmem>>
        %dma_wait3A_112 = tpu.memref_squeeze %dma_wait3A_111 : memref<1x128x64xf32, #tpu.memory_space<vmem>> -> memref<128x64xf32, #tpu.memory_space<vmem>>
        %dma_wait3A_113 = arith.constant 0 : i32
        %dma_wait3A_114 = tpu.memref_slice %arg2[%mul3A_106, %dma_wait3A_113] : memref<100000x64xf32, #tpu.memory_space<hbm>> -> memref<128x64xf32, #tpu.memory_space<hbm>>
        %dma_wait3A_115 = tpu.memref_slice %arg19[%dma_wait3A_108] : memref<2x!tpu.dma_semaphore, #tpu.memory_space<semaphore_mem>> -> memref<1x!tpu.dma_semaphore, #tpu.memory_space<semaphore_mem>>
        %dma_wait3A_116 = tpu.memref_squeeze %dma_wait3A_115 : memref<1x!tpu.dma_semaphore, #tpu.memory_space<semaphore_mem>> -> memref<!tpu.dma_semaphore, #tpu.memory_space<semaphore_mem>>
        %dma_wait3A_117 = arith.constant 0 : i32
        %dma_wait3A_118 = arith.constant 0 : i32
        %dma_wait3A_119 = tpu.memref_slice %arg13[%dma_wait3A_107, %dma_wait3A_117, %dma_wait3A_118] : memref<2x128x64xf32, #tpu.memory_space<vmem>> -> memref<1x128x64xf32, #tpu.memory_space<vmem>>
        %dma_wait3A_120 = tpu.memref_squeeze %dma_wait3A_119 : memref<1x128x64xf32, #tpu.memory_space<vmem>> -> memref<128x64xf32, #tpu.memory_space<vmem>>
        %dma_wait3A_121 = arith.constant 0 : i32
        %dma_wait3A_122 = tpu.memref_slice %arg2[%mul3A_106, %dma_wait3A_121] : memref<100000x64xf32, #tpu.memory_space<hbm>> -> memref<128x64xf32, #tpu.memory_space<hbm>>
        tpu.wait_dma2 semaphore(%dma_wait3A_116 : memref<!tpu.dma_semaphore, #tpu.memory_space<semaphore_mem>>) src(%dma_wait3A_122 : memref<128x64xf32, #tpu.memory_space<hbm>>) dst(%dma_wait3A_120 : memref<128x64xf32, #tpu.memory_space<vmem>>)
        %run_scoped3A = arith.constant 1 : i32
        "tpu.region"() ({
          %run_scoped3A_123 = tpu.sem_alloc : memref<!tpu.dma_semaphore, #tpu.memory_space<semaphore_mem>>
          %dma_start3A_124 = arith.constant 0 : i32
          %dma_start3A_125 = arith.constant 0 : i32
          %dma_start3A_126 = tpu.memref_slice %arg13[%run_scoped3A, %dma_start3A_124, %dma_start3A_125] : memref<2x128x64xf32, #tpu.memory_space<vmem>> -> memref<1x128x64xf32, #tpu.memory_space<vmem>>
          %dma_start3A_127 = tpu.memref_squeeze %dma_start3A_126 : memref<1x128x64xf32, #tpu.memory_space<vmem>> -> memref<128x64xf32, #tpu.memory_space<vmem>>
          %dma_start3A_128 = arith.constant 0 : i32
          %dma_start3A_129 = tpu.memref_slice %arg12[%add3A_83, %dma_start3A_128] : memref<25x128xi32, #tpu.memory_space<vmem>> -> memref<1x128xi32, #tpu.memory_space<vmem>>
          %dma_start3A_130 = tpu.memref_squeeze %dma_start3A_129 : memref<1x128xi32, #tpu.memory_space<vmem>> -> memref<128xi32, #tpu.memory_space<vmem>>
          %dma_start3A_131 = arith.constant 0 : i32
          %dma_start3A_132 = arith.constant 0 : i32
          %dma_start3A_133 = tpu.memref_slice %arg20[%dma_start3A_131, %dma_start3A_132] : memref<4096x64xf32, #tpu.memory_space<vmem_shared>> -> memref<4096x64xf32, #tpu.memory_space<vmem_shared>>
          tpu.enqueue_indirect_dma source(%dma_start3A_127 : memref<128x64xf32, #tpu.memory_space<vmem>>) target(%dma_start3A_133 : memref<4096x64xf32, #tpu.memory_space<vmem_shared>>) offsets(%dma_start3A_130 : memref<128xi32, #tpu.memory_space<vmem>>) semaphore(%run_scoped3A_123 : memref<!tpu.dma_semaphore, #tpu.memory_space<semaphore_mem>>) {add = true}
          %dma_wait3A_134 = arith.constant 0 : i32
          %dma_wait3A_135 = arith.constant 0 : i32
          %dma_wait3A_136 = tpu.memref_slice %arg13[%run_scoped3A, %dma_wait3A_134, %dma_wait3A_135] : memref<2x128x64xf32, #tpu.memory_space<vmem>> -> memref<1x128x64xf32, #tpu.memory_space<vmem>>
          %dma_wait3A_137 = tpu.memref_squeeze %dma_wait3A_136 : memref<1x128x64xf32, #tpu.memory_space<vmem>> -> memref<128x64xf32, #tpu.memory_space<vmem>>
          %dma_wait3A_138 = arith.constant 0 : i32
          %dma_wait3A_139 = tpu.memref_slice %arg12[%add3A_83, %dma_wait3A_138] : memref<25x128xi32, #tpu.memory_space<vmem>> -> memref<1x128xi32, #tpu.memory_space<vmem>>
          %dma_wait3A_140 = tpu.memref_squeeze %dma_wait3A_139 : memref<1x128xi32, #tpu.memory_space<vmem>> -> memref<128xi32, #tpu.memory_space<vmem>>
          %dma_wait3A_141 = arith.constant 0 : i32
          %dma_wait3A_142 = arith.constant 0 : i32
          %dma_wait3A_143 = tpu.memref_slice %arg20[%dma_wait3A_141, %dma_wait3A_142] : memref<4096x64xf32, #tpu.memory_space<vmem_shared>> -> memref<4096x64xf32, #tpu.memory_space<vmem_shared>>
          tpu.wait_indirect_dma semaphore(%run_scoped3A_123 : memref<!tpu.dma_semaphore, #tpu.memory_space<semaphore_mem>>) src(%dma_wait3A_137 : memref<128x64xf32, #tpu.memory_space<vmem>>) dst(%dma_wait3A_143 : memref<4096x64xf32, #tpu.memory_space<vmem_shared>>)
          tpu.yield
        }) : () -> ()
        "tpu.region"() ({
          %run_scoped3A_123 = tpu.sem_alloc : memref<!tpu.dma_semaphore, #tpu.memory_space<semaphore_mem>>
          %dma_start3A_124 = arith.constant 0 : i32
          %dma_start3A_125 = tpu.memref_slice %arg12[%add3A_83, %dma_start3A_124] : memref<25x128xi32, #tpu.memory_space<vmem>> -> memref<1x128xi32, #tpu.memory_space<vmem>>
          %dma_start3A_126 = tpu.memref_squeeze %dma_start3A_125 : memref<1x128xi32, #tpu.memory_space<vmem>> -> memref<128xi32, #tpu.memory_space<vmem>>
          %dma_start3A_127 = arith.constant 0 : i32
          %dma_start3A_128 = arith.constant 0 : i32
          %dma_start3A_129 = tpu.memref_slice %arg21[%dma_start3A_127, %dma_start3A_128] : memref<4096x16xf32, #tpu.memory_space<vmem_shared>> -> memref<4096x16xf32, #tpu.memory_space<vmem_shared>>
          tpu.enqueue_indirect_dma source(%arg14 : memref<128x16xf32, #tpu.memory_space<vmem>>) target(%dma_start3A_129 : memref<4096x16xf32, #tpu.memory_space<vmem_shared>>) offsets(%dma_start3A_126 : memref<128xi32, #tpu.memory_space<vmem>>) semaphore(%run_scoped3A_123 : memref<!tpu.dma_semaphore, #tpu.memory_space<semaphore_mem>>) {add = true}
          %dma_wait3A_130 = arith.constant 0 : i32
          %dma_wait3A_131 = tpu.memref_slice %arg12[%add3A_83, %dma_wait3A_130] : memref<25x128xi32, #tpu.memory_space<vmem>> -> memref<1x128xi32, #tpu.memory_space<vmem>>
          %dma_wait3A_132 = tpu.memref_squeeze %dma_wait3A_131 : memref<1x128xi32, #tpu.memory_space<vmem>> -> memref<128xi32, #tpu.memory_space<vmem>>
          %dma_wait3A_133 = arith.constant 0 : i32
          %dma_wait3A_134 = arith.constant 0 : i32
          %dma_wait3A_135 = tpu.memref_slice %arg21[%dma_wait3A_133, %dma_wait3A_134] : memref<4096x16xf32, #tpu.memory_space<vmem_shared>> -> memref<4096x16xf32, #tpu.memory_space<vmem_shared>>
          tpu.wait_indirect_dma semaphore(%run_scoped3A_123 : memref<!tpu.dma_semaphore, #tpu.memory_space<semaphore_mem>>) src(%arg14 : memref<128x16xf32, #tpu.memory_space<vmem>>) dst(%dma_wait3A_135 : memref<4096x16xf32, #tpu.memory_space<vmem_shared>>)
          tpu.yield
        }) : () -> ()
      } else {
      }
    }
    %scan3A_47 = arith.constant 13 : i32
    %eq3A = arith.constant 31 : i32
    %eq3A_48 = arith.cmpi eq, %add3A, %eq3A : i32
    %convert_element_type3A_49 = arith.extui %eq3A_48 : i1 to i32
    %cond3A_50 = arith.constant 0 : i32
    %cond3A_51 = arith.cmpi ne, %convert_element_type3A_49, %cond3A_50 : i32
    scf.if %cond3A_51 {
      %run_scoped3A = arith.constant 0 : i32
      "tpu.region"() ({
        %run_scoped3A_62 = tpu.sem_alloc : memref<!tpu.dma_semaphore, #tpu.memory_space<semaphore_mem>>
        %dma_start3A_63 = arith.constant 0 : i32
        %dma_start3A_64 = tpu.memref_slice %arg15[%run_scoped3A, %dma_start3A_63] : memref<1x32xi32, #tpu.memory_space<vmem>> -> memref<1x32xi32, #tpu.memory_space<vmem>>
        %dma_start3A_65 = tpu.memref_squeeze %dma_start3A_64 : memref<1x32xi32, #tpu.memory_space<vmem>> -> memref<32xi32, #tpu.memory_space<vmem>>
        %dma_start3A_66 = arith.constant 99968 : i32
        %dma_start3A_67 = tpu.memref_slice %arg3[%dma_start3A_66] : memref<100000xi32, #tpu.memory_space<hbm>> -> memref<32xi32, #tpu.memory_space<hbm>>
        %dma_start3A_68 = arith.constant 0 : i32
        %dma_start3A_69 = tpu.memref_slice %arg15[%run_scoped3A, %dma_start3A_68] : memref<1x32xi32, #tpu.memory_space<vmem>> -> memref<1x32xi32, #tpu.memory_space<vmem>>
        %dma_start3A_70 = tpu.memref_squeeze %dma_start3A_69 : memref<1x32xi32, #tpu.memory_space<vmem>> -> memref<32xi32, #tpu.memory_space<vmem>>
        %dma_start3A_71 = arith.constant 99968 : i32
        %dma_start3A_72 = tpu.memref_slice %arg3[%dma_start3A_71] : memref<100000xi32, #tpu.memory_space<hbm>> -> memref<32xi32, #tpu.memory_space<hbm>>
        tpu.enqueue_dma source(%dma_start3A_72 : memref<32xi32, #tpu.memory_space<hbm>>) target(%dma_start3A_70 : memref<32xi32, #tpu.memory_space<vmem>>) target_semaphore(%run_scoped3A_62 : memref<!tpu.dma_semaphore, #tpu.memory_space<semaphore_mem>>)
        %dma_wait3A_73 = arith.constant 0 : i32
        %dma_wait3A_74 = tpu.memref_slice %arg15[%run_scoped3A, %dma_wait3A_73] : memref<1x32xi32, #tpu.memory_space<vmem>> -> memref<1x32xi32, #tpu.memory_space<vmem>>
        %dma_wait3A_75 = tpu.memref_squeeze %dma_wait3A_74 : memref<1x32xi32, #tpu.memory_space<vmem>> -> memref<32xi32, #tpu.memory_space<vmem>>
        %dma_wait3A_76 = arith.constant 99968 : i32
        %dma_wait3A_77 = tpu.memref_slice %arg3[%dma_wait3A_76] : memref<100000xi32, #tpu.memory_space<hbm>> -> memref<32xi32, #tpu.memory_space<hbm>>
        %dma_wait3A_78 = arith.constant 0 : i32
        %dma_wait3A_79 = tpu.memref_slice %arg15[%run_scoped3A, %dma_wait3A_78] : memref<1x32xi32, #tpu.memory_space<vmem>> -> memref<1x32xi32, #tpu.memory_space<vmem>>
        %dma_wait3A_80 = tpu.memref_squeeze %dma_wait3A_79 : memref<1x32xi32, #tpu.memory_space<vmem>> -> memref<32xi32, #tpu.memory_space<vmem>>
        %dma_wait3A_81 = arith.constant 99968 : i32
        %dma_wait3A_82 = tpu.memref_slice %arg3[%dma_wait3A_81] : memref<100000xi32, #tpu.memory_space<hbm>> -> memref<32xi32, #tpu.memory_space<hbm>>
        tpu.wait_dma2 semaphore(%run_scoped3A_62 : memref<!tpu.dma_semaphore, #tpu.memory_space<semaphore_mem>>) src(%dma_wait3A_82 : memref<32xi32, #tpu.memory_space<hbm>>) dst(%dma_wait3A_80 : memref<32xi32, #tpu.memory_space<vmem>>)
        tpu.yield
      }) : () -> ()
      "tpu.region"() ({
        %run_scoped3A_62 = tpu.sem_alloc : memref<!tpu.dma_semaphore, #tpu.memory_space<semaphore_mem>>
        %dma_start3A_63 = arith.constant 99968 : i32
        %dma_start3A_64 = arith.constant 0 : i32
        %dma_start3A_65 = tpu.memref_slice %arg2[%dma_start3A_63, %dma_start3A_64] : memref<100000x64xf32, #tpu.memory_space<hbm>> -> memref<32x64xf32, #tpu.memory_space<hbm>>
        %dma_start3A_66 = arith.constant 99968 : i32
        %dma_start3A_67 = arith.constant 0 : i32
        %dma_start3A_68 = tpu.memref_slice %arg2[%dma_start3A_66, %dma_start3A_67] : memref<100000x64xf32, #tpu.memory_space<hbm>> -> memref<32x64xf32, #tpu.memory_space<hbm>>
        tpu.enqueue_dma source(%dma_start3A_68 : memref<32x64xf32, #tpu.memory_space<hbm>>) target(%arg16 : memref<32x64xf32, #tpu.memory_space<vmem>>) target_semaphore(%run_scoped3A_62 : memref<!tpu.dma_semaphore, #tpu.memory_space<semaphore_mem>>)
        %dma_wait3A_69 = arith.constant 99968 : i32
        %dma_wait3A_70 = arith.constant 0 : i32
        %dma_wait3A_71 = tpu.memref_slice %arg2[%dma_wait3A_69, %dma_wait3A_70] : memref<100000x64xf32, #tpu.memory_space<hbm>> -> memref<32x64xf32, #tpu.memory_space<hbm>>
        %dma_wait3A_72 = arith.constant 99968 : i32
        %dma_wait3A_73 = arith.constant 0 : i32
        %dma_wait3A_74 = tpu.memref_slice %arg2[%dma_wait3A_72, %dma_wait3A_73] : memref<100000x64xf32, #tpu.memory_space<hbm>> -> memref<32x64xf32, #tpu.memory_space<hbm>>
        tpu.wait_dma2 semaphore(%run_scoped3A_62 : memref<!tpu.dma_semaphore, #tpu.memory_space<semaphore_mem>>) src(%dma_wait3A_74 : memref<32x64xf32, #tpu.memory_space<hbm>>) dst(%arg16 : memref<32x64xf32, #tpu.memory_space<vmem>>)
        tpu.yield
      }) : () -> ()
      %run_scoped3A_60 = arith.constant 0 : i32
      "tpu.region"() ({
        %run_scoped3A_62 = tpu.sem_alloc : memref<!tpu.dma_semaphore, #tpu.memory_space<semaphore_mem>>
        %dma_start3A_63 = arith.constant 0 : i32
        %dma_start3A_64 = tpu.memref_slice %arg15[%run_scoped3A_60, %dma_start3A_63] : memref<1x32xi32, #tpu.memory_space<vmem>> -> memref<1x32xi32, #tpu.memory_space<vmem>>
        %dma_start3A_65 = tpu.memref_squeeze %dma_start3A_64 : memref<1x32xi32, #tpu.memory_space<vmem>> -> memref<32xi32, #tpu.memory_space<vmem>>
        %dma_start3A_66 = arith.constant 0 : i32
        %dma_start3A_67 = arith.constant 0 : i32
        %dma_start3A_68 = tpu.memref_slice %arg20[%dma_start3A_66, %dma_start3A_67] : memref<4096x64xf32, #tpu.memory_space<vmem_shared>> -> memref<4096x64xf32, #tpu.memory_space<vmem_shared>>
        tpu.enqueue_indirect_dma source(%arg16 : memref<32x64xf32, #tpu.memory_space<vmem>>) target(%dma_start3A_68 : memref<4096x64xf32, #tpu.memory_space<vmem_shared>>) offsets(%dma_start3A_65 : memref<32xi32, #tpu.memory_space<vmem>>) semaphore(%run_scoped3A_62 : memref<!tpu.dma_semaphore, #tpu.memory_space<semaphore_mem>>) {add = true}
        %dma_wait3A_69 = arith.constant 0 : i32
        %dma_wait3A_70 = tpu.memref_slice %arg15[%run_scoped3A_60, %dma_wait3A_69] : memref<1x32xi32, #tpu.memory_space<vmem>> -> memref<1x32xi32, #tpu.memory_space<vmem>>
        %dma_wait3A_71 = tpu.memref_squeeze %dma_wait3A_70 : memref<1x32xi32, #tpu.memory_space<vmem>> -> memref<32xi32, #tpu.memory_space<vmem>>
        %dma_wait3A_72 = arith.constant 0 : i32
        %dma_wait3A_73 = arith.constant 0 : i32
        %dma_wait3A_74 = tpu.memref_slice %arg20[%dma_wait3A_72, %dma_wait3A_73] : memref<4096x64xf32, #tpu.memory_space<vmem_shared>> -> memref<4096x64xf32, #tpu.memory_space<vmem_shared>>
        tpu.wait_indirect_dma semaphore(%run_scoped3A_62 : memref<!tpu.dma_semaphore, #tpu.memory_space<semaphore_mem>>) src(%arg16 : memref<32x64xf32, #tpu.memory_space<vmem>>) dst(%dma_wait3A_74 : memref<4096x64xf32, #tpu.memory_space<vmem_shared>>)
        tpu.yield
      }) : () -> ()
      %run_scoped3A_61 = arith.constant 0 : i32
      "tpu.region"() ({
        %run_scoped3A_62 = tpu.sem_alloc : memref<!tpu.dma_semaphore, #tpu.memory_space<semaphore_mem>>
        %dma_start3A_63 = arith.constant 0 : i32
        %dma_start3A_64 = arith.constant 0 : i32
        %dma_start3A_65 = tpu.memref_slice %arg14[%dma_start3A_63, %dma_start3A_64] : memref<128x16xf32, #tpu.memory_space<vmem>> -> memref<32x16xf32, #tpu.memory_space<vmem>>
        %dma_start3A_66 = arith.constant 0 : i32
        %dma_start3A_67 = tpu.memref_slice %arg15[%run_scoped3A_61, %dma_start3A_66] : memref<1x32xi32, #tpu.memory_space<vmem>> -> memref<1x32xi32, #tpu.memory_space<vmem>>
        %dma_start3A_68 = tpu.memref_squeeze %dma_start3A_67 : memref<1x32xi32, #tpu.memory_space<vmem>> -> memref<32xi32, #tpu.memory_space<vmem>>
        %dma_start3A_69 = arith.constant 0 : i32
        %dma_start3A_70 = arith.constant 0 : i32
        %dma_start3A_71 = tpu.memref_slice %arg21[%dma_start3A_69, %dma_start3A_70] : memref<4096x16xf32, #tpu.memory_space<vmem_shared>> -> memref<4096x16xf32, #tpu.memory_space<vmem_shared>>
        tpu.enqueue_indirect_dma source(%dma_start3A_65 : memref<32x16xf32, #tpu.memory_space<vmem>>) target(%dma_start3A_71 : memref<4096x16xf32, #tpu.memory_space<vmem_shared>>) offsets(%dma_start3A_68 : memref<32xi32, #tpu.memory_space<vmem>>) semaphore(%run_scoped3A_62 : memref<!tpu.dma_semaphore, #tpu.memory_space<semaphore_mem>>) {add = true}
        %dma_wait3A_72 = arith.constant 0 : i32
        %dma_wait3A_73 = arith.constant 0 : i32
        %dma_wait3A_74 = tpu.memref_slice %arg14[%dma_wait3A_72, %dma_wait3A_73] : memref<128x16xf32, #tpu.memory_space<vmem>> -> memref<32x16xf32, #tpu.memory_space<vmem>>
        %dma_wait3A_75 = arith.constant 0 : i32
        %dma_wait3A_76 = tpu.memref_slice %arg15[%run_scoped3A_61, %dma_wait3A_75] : memref<1x32xi32, #tpu.memory_space<vmem>> -> memref<1x32xi32, #tpu.memory_space<vmem>>
        %dma_wait3A_77 = tpu.memref_squeeze %dma_wait3A_76 : memref<1x32xi32, #tpu.memory_space<vmem>> -> memref<32xi32, #tpu.memory_space<vmem>>
        %dma_wait3A_78 = arith.constant 0 : i32
        %dma_wait3A_79 = arith.constant 0 : i32
        %dma_wait3A_80 = tpu.memref_slice %arg21[%dma_wait3A_78, %dma_wait3A_79] : memref<4096x16xf32, #tpu.memory_space<vmem_shared>> -> memref<4096x16xf32, #tpu.memory_space<vmem_shared>>
        tpu.wait_indirect_dma semaphore(%run_scoped3A_62 : memref<!tpu.dma_semaphore, #tpu.memory_space<semaphore_mem>>) src(%dma_wait3A_74 : memref<32x16xf32, #tpu.memory_space<vmem>>) dst(%dma_wait3A_80 : memref<4096x16xf32, #tpu.memory_space<vmem_shared>>)
        tpu.yield
      }) : () -> ()
    } else {
    }
    %barrier3A_52 = arith.constant 0 : index
    tpu.barrier barrier_id(%barrier3A_52)
    %mul3A_53 = arith.constant 256 : i32
    %mul3A_54 = arith.muli %arg1, %mul3A_53 : i32
    "tpu.region"() ({
      %run_scoped3A = tpu.sem_alloc : memref<!tpu.dma_semaphore, #tpu.memory_space<semaphore_mem>>
      %dma_start3A_60 = arith.constant 0 : i32
      %dma_start3A_61 = arith.constant 0 : i32
      %dma_start3A_62 = tpu.memref_slice %arg9[%arg0, %dma_start3A_60, %dma_start3A_61] : memref<2x4096x64xf32, #tpu.memory_space<hbm>> -> memref<1x4096x64xf32, #tpu.memory_space<hbm>>
      %dma_start3A_63 = tpu.memref_squeeze %dma_start3A_62 : memref<1x4096x64xf32, #tpu.memory_space<hbm>> -> memref<4096x64xf32, #tpu.memory_space<hbm>>
      %dma_start3A_64 = arith.constant 0 : i32
      %dma_start3A_65 = tpu.memref_slice %dma_start3A_63[%mul3A_54, %dma_start3A_64] : memref<4096x64xf32, #tpu.memory_space<hbm>> -> memref<256x64xf32, #tpu.memory_space<hbm>>
      %dma_start3A_66 = arith.constant 0 : i32
      %dma_start3A_67 = tpu.memref_slice %arg20[%mul3A_54, %dma_start3A_66] : memref<4096x64xf32, #tpu.memory_space<vmem_shared>> -> memref<256x64xf32, #tpu.memory_space<vmem_shared>>
      tpu.enqueue_dma source(%dma_start3A_67 : memref<256x64xf32, #tpu.memory_space<vmem_shared>>) target(%dma_start3A_65 : memref<256x64xf32, #tpu.memory_space<hbm>>) target_semaphore(%run_scoped3A : memref<!tpu.dma_semaphore, #tpu.memory_space<semaphore_mem>>)
      %dma_wait3A_68 = arith.constant 0 : i32
      %dma_wait3A_69 = arith.constant 0 : i32
      %dma_wait3A_70 = tpu.memref_slice %arg9[%arg0, %dma_wait3A_68, %dma_wait3A_69] : memref<2x4096x64xf32, #tpu.memory_space<hbm>> -> memref<1x4096x64xf32, #tpu.memory_space<hbm>>
      %dma_wait3A_71 = tpu.memref_squeeze %dma_wait3A_70 : memref<1x4096x64xf32, #tpu.memory_space<hbm>> -> memref<4096x64xf32, #tpu.memory_space<hbm>>
      %dma_wait3A_72 = arith.constant 0 : i32
      %dma_wait3A_73 = tpu.memref_slice %dma_wait3A_71[%mul3A_54, %dma_wait3A_72] : memref<4096x64xf32, #tpu.memory_space<hbm>> -> memref<256x64xf32, #tpu.memory_space<hbm>>
      %dma_wait3A_74 = arith.constant 0 : i32
      %dma_wait3A_75 = tpu.memref_slice %arg20[%mul3A_54, %dma_wait3A_74] : memref<4096x64xf32, #tpu.memory_space<vmem_shared>> -> memref<256x64xf32, #tpu.memory_space<vmem_shared>>
      tpu.wait_dma2 semaphore(%run_scoped3A : memref<!tpu.dma_semaphore, #tpu.memory_space<semaphore_mem>>) src(%dma_wait3A_75 : memref<256x64xf32, #tpu.memory_space<vmem_shared>>) dst(%dma_wait3A_73 : memref<256x64xf32, #tpu.memory_space<hbm>>)
      tpu.yield
    }) : () -> ()
    "tpu.region"() ({
      %run_scoped3A = tpu.sem_alloc : memref<!tpu.dma_semaphore, #tpu.memory_space<semaphore_mem>>
      %dma_start3A_60 = arith.constant 0 : i32
      %dma_start3A_61 = arith.constant 0 : i32
      %dma_start3A_62 = tpu.memref_slice %arg10[%arg0, %dma_start3A_60, %dma_start3A_61] : memref<2x4096x16xf32, #tpu.memory_space<hbm>> -> memref<1x4096x16xf32, #tpu.memory_space<hbm>>
      %dma_start3A_63 = tpu.memref_squeeze %dma_start3A_62 : memref<1x4096x16xf32, #tpu.memory_space<hbm>> -> memref<4096x16xf32, #tpu.memory_space<hbm>>
      %dma_start3A_64 = arith.constant 0 : i32
      %dma_start3A_65 = tpu.memref_slice %dma_start3A_63[%mul3A_54, %dma_start3A_64] : memref<4096x16xf32, #tpu.memory_space<hbm>> -> memref<256x16xf32, #tpu.memory_space<hbm>>
      %dma_start3A_66 = arith.constant 0 : i32
      %dma_start3A_67 = tpu.memref_slice %arg21[%mul3A_54, %dma_start3A_66] : memref<4096x16xf32, #tpu.memory_space<vmem_shared>> -> memref<256x16xf32, #tpu.memory_space<vmem_shared>>
      tpu.enqueue_dma source(%dma_start3A_67 : memref<256x16xf32, #tpu.memory_space<vmem_shared>>) target(%dma_start3A_65 : memref<256x16xf32, #tpu.memory_space<hbm>>) target_semaphore(%run_scoped3A : memref<!tpu.dma_semaphore, #tpu.memory_space<semaphore_mem>>)
      %dma_wait3A_68 = arith.constant 0 : i32
      %dma_wait3A_69 = arith.constant 0 : i32
      %dma_wait3A_70 = tpu.memref_slice %arg10[%arg0, %dma_wait3A_68, %dma_wait3A_69] : memref<2x4096x16xf32, #tpu.memory_space<hbm>> -> memref<1x4096x16xf32, #tpu.memory_space<hbm>>
      %dma_wait3A_71 = tpu.memref_squeeze %dma_wait3A_70 : memref<1x4096x16xf32, #tpu.memory_space<hbm>> -> memref<4096x16xf32, #tpu.memory_space<hbm>>
      %dma_wait3A_72 = arith.constant 0 : i32
      %dma_wait3A_73 = tpu.memref_slice %dma_wait3A_71[%mul3A_54, %dma_wait3A_72] : memref<4096x16xf32, #tpu.memory_space<hbm>> -> memref<256x16xf32, #tpu.memory_space<hbm>>
      %dma_wait3A_74 = arith.constant 0 : i32
      %dma_wait3A_75 = tpu.memref_slice %arg21[%mul3A_54, %dma_wait3A_74] : memref<4096x16xf32, #tpu.memory_space<vmem_shared>> -> memref<256x16xf32, #tpu.memory_space<vmem_shared>>
      tpu.wait_dma2 semaphore(%run_scoped3A : memref<!tpu.dma_semaphore, #tpu.memory_space<semaphore_mem>>) src(%dma_wait3A_75 : memref<256x16xf32, #tpu.memory_space<vmem_shared>>) dst(%dma_wait3A_73 : memref<256x16xf32, #tpu.memory_space<hbm>>)
      tpu.yield
    }) : () -> ()
    %lt3A_55 = arith.constant 8 : i32
    %lt3A_56 = arith.cmpi slt, %add3A, %lt3A_55 : i32
    %convert_element_type3A_57 = arith.extui %lt3A_56 : i1 to i32
    %cond3A_58 = arith.constant 0 : i32
    %cond3A_59 = arith.cmpi ne, %convert_element_type3A_57, %cond3A_58 : i32
    scf.if %cond3A_59 {
      %mul3A_60 = arith.constant 128 : i32
      %mul3A_61 = arith.muli %add3A, %mul3A_60 : i32
      "tpu.region"() ({
        %run_scoped3A = tpu.sem_alloc : memref<!tpu.dma_semaphore, #tpu.memory_space<semaphore_mem>>
        %dma_start3A_62 = tpu.memref_slice %arg5[%mul3A_61] : memref<1024xi32, #tpu.memory_space<hbm>> -> memref<128xi32, #tpu.memory_space<hbm>>
        %dma_start3A_63 = tpu.memref_slice %arg5[%mul3A_61] : memref<1024xi32, #tpu.memory_space<hbm>> -> memref<128xi32, #tpu.memory_space<hbm>>
        tpu.enqueue_dma source(%dma_start3A_63 : memref<128xi32, #tpu.memory_space<hbm>>) target(%arg17 : memref<128xi32, #tpu.memory_space<vmem>>) target_semaphore(%run_scoped3A : memref<!tpu.dma_semaphore, #tpu.memory_space<semaphore_mem>>)
        %dma_wait3A_64 = tpu.memref_slice %arg5[%mul3A_61] : memref<1024xi32, #tpu.memory_space<hbm>> -> memref<128xi32, #tpu.memory_space<hbm>>
        %dma_wait3A_65 = tpu.memref_slice %arg5[%mul3A_61] : memref<1024xi32, #tpu.memory_space<hbm>> -> memref<128xi32, #tpu.memory_space<hbm>>
        tpu.wait_dma2 semaphore(%run_scoped3A : memref<!tpu.dma_semaphore, #tpu.memory_space<semaphore_mem>>) src(%dma_wait3A_65 : memref<128xi32, #tpu.memory_space<hbm>>) dst(%arg17 : memref<128xi32, #tpu.memory_space<vmem>>)
        tpu.yield
      }) : () -> ()
      "tpu.region"() ({
        %run_scoped3A = tpu.sem_alloc : memref<!tpu.dma_semaphore, #tpu.memory_space<semaphore_mem>>
        %dma_start3A_62 = arith.constant 0 : i32
        %dma_start3A_63 = tpu.memref_slice %arg3[%dma_start3A_62] : memref<100000xi32, #tpu.memory_space<hbm>> -> memref<100000xi32, #tpu.memory_space<hbm>>
        tpu.enqueue_indirect_dma source(%dma_start3A_63 : memref<100000xi32, #tpu.memory_space<hbm>>) target(%arg18 : memref<128xi32, #tpu.memory_space<vmem>>) offsets(%arg17 : memref<128xi32, #tpu.memory_space<vmem>>) semaphore(%run_scoped3A : memref<!tpu.dma_semaphore, #tpu.memory_space<semaphore_mem>>)
        %dma_wait3A_64 = arith.constant 0 : i32
        %dma_wait3A_65 = tpu.memref_slice %arg3[%dma_wait3A_64] : memref<100000xi32, #tpu.memory_space<hbm>> -> memref<100000xi32, #tpu.memory_space<hbm>>
        tpu.wait_indirect_dma semaphore(%run_scoped3A : memref<!tpu.dma_semaphore, #tpu.memory_space<semaphore_mem>>) src(%dma_wait3A_65 : memref<100000xi32, #tpu.memory_space<hbm>>) dst(%arg18 : memref<128xi32, #tpu.memory_space<vmem>>)
        tpu.yield
      }) : () -> ()
      "tpu.region"() ({
        %run_scoped3A = tpu.sem_alloc : memref<!tpu.dma_semaphore, #tpu.memory_space<semaphore_mem>>
        %dma_start3A_62 = tpu.memref_slice %arg11[%mul3A_61] : memref<1024xi32, #tpu.memory_space<hbm>> -> memref<128xi32, #tpu.memory_space<hbm>>
        %dma_start3A_63 = tpu.memref_slice %arg11[%mul3A_61] : memref<1024xi32, #tpu.memory_space<hbm>> -> memref<128xi32, #tpu.memory_space<hbm>>
        tpu.enqueue_dma source(%arg18 : memref<128xi32, #tpu.memory_space<vmem>>) target(%dma_start3A_63 : memref<128xi32, #tpu.memory_space<hbm>>) target_semaphore(%run_scoped3A : memref<!tpu.dma_semaphore, #tpu.memory_space<semaphore_mem>>)
        %dma_wait3A_64 = tpu.memref_slice %arg11[%mul3A_61] : memref<1024xi32, #tpu.memory_space<hbm>> -> memref<128xi32, #tpu.memory_space<hbm>>
        %dma_wait3A_65 = tpu.memref_slice %arg11[%mul3A_61] : memref<1024xi32, #tpu.memory_space<hbm>> -> memref<128xi32, #tpu.memory_space<hbm>>
        tpu.wait_dma2 semaphore(%run_scoped3A : memref<!tpu.dma_semaphore, #tpu.memory_space<semaphore_mem>>) src(%arg18 : memref<128xi32, #tpu.memory_space<vmem>>) dst(%dma_wait3A_65 : memref<128xi32, #tpu.memory_space<hbm>>)
        tpu.yield
      }) : () -> ()
    } else {
    }
    return
  }
}

module attributes {stable_mosaic.version = 14 : i64} {
  func.func @_tc_body(%arg0: i32, %arg1: memref<1024x64xf32, #tpu.memory_space<vmem>>, %arg2: memref<2x512x64xf32, #tpu.memory_space<vmem>>, %arg3: memref<2x512x16xf32, #tpu.memory_space<vmem>>, %arg4: memref<1024x1xi32, #tpu.memory_space<vmem>>, %arg5: memref<1x1xf32, #tpu.memory_space<vmem>>, %arg6: memref<1024x1xf32, #tpu.memory_space<vmem>>, %arg7: memref<1024x1xf32, #tpu.memory_space<vmem>>) attributes {dimension_semantics = [#tpu.dimension_semantics<arbitrary>], iteration_bounds = array<i64: 8>, scalar_prefetch = 0 : i64, scratch_operands = 2 : i64, tpu.core_type = #tpu.core_type<tc>, window_params = [{pipeline_mode = #tpu.pipeline_mode<synchronous>, transform_indices = @transform_0, window_bounds = array<i64: 1024, 64>}, {transform_indices = @transform_1, window_bounds = array<i64: 2, 512, 64>}, {transform_indices = @transform_2, window_bounds = array<i64: 2, 512, 16>}, {pipeline_mode = #tpu.pipeline_mode<synchronous>, transform_indices = @transform_3, window_bounds = array<i64: 1024, 1>}, {pipeline_mode = #tpu.pipeline_mode<synchronous>, transform_indices = @transform_4, window_bounds = array<i64: 1, 1>}]} {
    %get3A = arith.constant 0 : index
    %get3A_0 = arith.constant 0 : index
    %get3A_1 = vector.load %arg1[%get3A, %get3A_0] : memref<1024x64xf32, #tpu.memory_space<vmem>>, vector<1024x64xf32>
    %mul3A = arith.mulf %get3A_1, %get3A_1 : vector<1024x64xf32>
    %reduce_sum3A = arith.constant dense<0.000000e+00> : vector<1024xf32>
    %reduce_sum3A_2 = vector.multi_reduction <add>, %mul3A, %reduce_sum3A [1] : vector<1024x64xf32> to vector<1024xf32>
    %broadcast_in_dim3A = vector.shape_cast %reduce_sum3A_2 : vector<1024xf32> to vector<1024x1xf32>
    %sqrt3A = math.sqrt %broadcast_in_dim3A : vector<1024x1xf32>
    %max3A = arith.constant 9.99999996E-13 : f32
    %max3A_3 = vector.broadcast %max3A : f32 to vector<1024x1xf32>
    %max3A_4 = arith.maximumf %sqrt3A, %max3A_3 : vector<1024x1xf32>
    %div3A = vector.broadcast %max3A_4 : vector<1024x1xf32> to vector<1024x64xf32>
    %div3A_5 = arith.divf %get3A_1, %div3A : vector<1024x64xf32>
    %get3A_6 = arith.constant 0 : index
    %get3A_7 = arith.constant 0 : index
    %get3A_8 = arith.constant 0 : index
    %get3A_9 = vector.load %arg2[%get3A_6, %get3A_7, %get3A_8] : memref<2x512x64xf32, #tpu.memory_space<vmem>>, vector<2x512x64xf32>
    %slice3A = vector.extract_strided_slice %get3A_9 {offsets = [0, 0, 0], sizes = [1, 512, 64], strides = [1, 1, 1]} : vector<2x512x64xf32> to vector<1x512x64xf32>
    %squeeze3A = vector.shape_cast %slice3A : vector<1x512x64xf32> to vector<512x64xf32>
    %slice3A_10 = vector.extract_strided_slice %get3A_9 {offsets = [1, 0, 0], sizes = [1, 512, 64], strides = [1, 1, 1]} : vector<2x512x64xf32> to vector<1x512x64xf32>
    %squeeze3A_11 = vector.shape_cast %slice3A_10 : vector<1x512x64xf32> to vector<512x64xf32>
    %add3A = arith.addf %squeeze3A, %squeeze3A_11 : vector<512x64xf32>
    %get3A_12 = arith.constant 0 : index
    %get3A_13 = arith.constant 0 : index
    %get3A_14 = arith.constant 0 : index
    %get3A_15 = vector.load %arg3[%get3A_12, %get3A_13, %get3A_14] : memref<2x512x16xf32, #tpu.memory_space<vmem>>, vector<2x512x16xf32>
    %slice3A_16 = vector.extract_strided_slice %get3A_15 {offsets = [0, 0, 0], sizes = [1, 512, 1], strides = [1, 1, 1]} : vector<2x512x16xf32> to vector<1x512x1xf32>
    %squeeze3A_17 = vector.shape_cast %slice3A_16 : vector<1x512x1xf32> to vector<512xf32>
    %slice3A_18 = vector.extract_strided_slice %get3A_15 {offsets = [1, 0, 0], sizes = [1, 512, 1], strides = [1, 1, 1]} : vector<2x512x16xf32> to vector<1x512x1xf32>
    %squeeze3A_19 = vector.shape_cast %slice3A_18 : vector<1x512x1xf32> to vector<512xf32>
    %add3A_20 = arith.addf %squeeze3A_17, %squeeze3A_19 : vector<512xf32>
    %gt3A = arith.constant 0.000000e+00 : f32
    %gt3A_21 = vector.broadcast %gt3A : f32 to vector<512xf32>
    %gt3A_22 = arith.cmpf ogt, %add3A_20, %gt3A_21 : vector<512xf32>
    %jit3A = arith.constant 1.000000e+00 : f32
    %broadcast_in_dim3A_23 = vector.broadcast %jit3A : f32 to vector<512xf32>
    %select_n3A = arith.select %gt3A_22, %add3A_20, %broadcast_in_dim3A_23 : vector<512xi1>, vector<512xf32>
    %mul3A_24 = arith.constant 5.000000e-02 : f32
    %mul3A_25 = vector.broadcast %mul3A_24 : f32 to vector<512xf32>
    %mul3A_26 = arith.mulf %mul3A_25, %select_n3A : vector<512xf32>
    %div3A_27 = arith.constant 1.000000e+00 : f32
    %div3A_28 = vector.broadcast %div3A_27 : f32 to vector<512xf32>
    %div3A_29 = arith.divf %div3A_28, %mul3A_26 : vector<512xf32>
    %broadcast_in_dim3A_30 = vector.shape_cast %div3A_29 : vector<512xf32> to vector<512x1xf32>
    %mul3A_31 = vector.broadcast %broadcast_in_dim3A_30 : vector<512x1xf32> to vector<512x64xf32>
    %mul3A_32 = arith.mulf %add3A, %mul3A_31 : vector<512x64xf32>
    %dot_general3A = arith.constant dense<0.000000e+00> : vector<1024x512xf32>
    %dot_general3A_33 = tpu.matmul %div3A_5, %mul3A_32, %dot_general3A {dimension_numbers = #tpu.dot_dimension_numbers<[1], [1], [0], [0], [0, 0, 1, 0], [], []>, transpose_lhs_hint = false} : vector<1024x64xf32>, vector<512x64xf32>, vector<1024x512xf32> -> vector<1024x512xf32>
    %exp3A = math.exp %dot_general3A_33 : vector<1024x512xf32>
    %gt3A_34 = arith.constant 0.000000e+00 : f32
    %gt3A_35 = vector.broadcast %gt3A_34 : f32 to vector<512xf32>
    %gt3A_36 = arith.cmpf ogt, %add3A_20, %gt3A_35 : vector<512xf32>
    %convert_element_type3A = arith.extui %gt3A_36 : vector<512xi1> to vector<512xi32>
    %convert_element_type3A_37 = arith.sitofp %convert_element_type3A : vector<512xi32> to vector<512xf32>
    %broadcast_in_dim3A_38 = vector.shape_cast %convert_element_type3A_37 : vector<512xf32> to vector<1x512xf32>
    %mul3A_39 = vector.broadcast %broadcast_in_dim3A_38 : vector<1x512xf32> to vector<1024x512xf32>
    %mul3A_40 = arith.mulf %exp3A, %mul3A_39 : vector<1024x512xf32>
    %mul3A_41 = arith.constant 512 : i32
    %mul3A_42 = arith.muli %arg0, %mul3A_41 : i32
    %iota3A = tpu.iota {dimensions = array<i32: 1>} : vector<1024x512xi32>
    %add3A_43 = vector.broadcast %mul3A_42 : i32 to vector<1024x512xi32>
    %add3A_44 = arith.addi %add3A_43, %iota3A : vector<1024x512xi32>
    %get3A_45 = arith.constant 0 : index
    %get3A_46 = arith.constant 0 : index
    %get3A_47 = vector.load %arg4[%get3A_45, %get3A_46] : memref<1024x1xi32, #tpu.memory_space<vmem>>, vector<1024x1xi32>
    %eq3A = vector.broadcast %get3A_47 : vector<1024x1xi32> to vector<1024x512xi32>
    %eq3A_48 = arith.cmpi eq, %add3A_44, %eq3A : vector<1024x512xi32>
    %convert_element_type3A_49 = arith.extui %eq3A_48 : vector<1024x512xi1> to vector<1024x512xi32>
    %convert_element_type3A_50 = arith.sitofp %convert_element_type3A_49 : vector<1024x512xi32> to vector<1024x512xf32>
    %reduce_sum3A_51 = arith.constant dense<0.000000e+00> : vector<1024xf32>
    %reduce_sum3A_52 = vector.multi_reduction <add>, %mul3A_40, %reduce_sum3A_51 [1] : vector<1024x512xf32> to vector<1024xf32>
    %broadcast_in_dim3A_53 = vector.shape_cast %reduce_sum3A_52 : vector<1024xf32> to vector<1024x1xf32>
    %mul3A_54 = arith.mulf %mul3A_40, %convert_element_type3A_50 : vector<1024x512xf32>
    %reduce_sum3A_55 = arith.constant dense<0.000000e+00> : vector<1024xf32>
    %reduce_sum3A_56 = vector.multi_reduction <add>, %mul3A_54, %reduce_sum3A_55 [1] : vector<1024x512xf32> to vector<1024xf32>
    %broadcast_in_dim3A_57 = vector.shape_cast %reduce_sum3A_56 : vector<1024xf32> to vector<1024x1xf32>
    %eq3A_58 = arith.constant 0 : i32
    %eq3A_59 = arith.cmpi eq, %arg0, %eq3A_58 : i32
    %convert_element_type3A_60 = arith.extui %eq3A_59 : i1 to i32
    %cond3A = arith.constant 0 : i32
    %cond3A_61 = arith.cmpi ne, %convert_element_type3A_60, %cond3A : i32
    scf.if %cond3A_61 {
      %swap3A = arith.constant 0 : index
      %swap3A_72 = arith.constant 0 : index
      %swap3A_73 = vector.load %arg6[%swap3A, %swap3A_72] : memref<1024x1xf32, #tpu.memory_space<vmem>>, vector<1024x1xf32>
      tpu.vector_store %arg6[%swap3A, %swap3A_72], %broadcast_in_dim3A_53 {strides = array<i32>} : memref<1024x1xf32, #tpu.memory_space<vmem>>, vector<1024x1xf32>,
      %swap3A_74 = arith.constant 0 : index
      %swap3A_75 = arith.constant 0 : index
      %swap3A_76 = vector.load %arg7[%swap3A_74, %swap3A_75] : memref<1024x1xf32, #tpu.memory_space<vmem>>, vector<1024x1xf32>
      tpu.vector_store %arg7[%swap3A_74, %swap3A_75], %broadcast_in_dim3A_57 {strides = array<i32>} : memref<1024x1xf32, #tpu.memory_space<vmem>>, vector<1024x1xf32>,
    } else {
    }
    %gt3A_62 = arith.constant 0 : i32
    %gt3A_63 = arith.cmpi sgt, %arg0, %gt3A_62 : i32
    %convert_element_type3A_64 = arith.extui %gt3A_63 : i1 to i32
    %cond3A_65 = arith.constant 0 : i32
    %cond3A_66 = arith.cmpi ne, %convert_element_type3A_64, %cond3A_65 : i32
    scf.if %cond3A_66 {
      %get3A_72 = arith.constant 0 : index
      %get3A_73 = arith.constant 0 : index
      %get3A_74 = vector.load %arg6[%get3A_72, %get3A_73] : memref<1024x1xf32, #tpu.memory_space<vmem>>, vector<1024x1xf32>
      %add3A_75 = arith.addf %get3A_74, %broadcast_in_dim3A_53 : vector<1024x1xf32>
      %swap3A = arith.constant 0 : index
      %swap3A_76 = arith.constant 0 : index
      %swap3A_77 = vector.load %arg6[%swap3A, %swap3A_76] : memref<1024x1xf32, #tpu.memory_space<vmem>>, vector<1024x1xf32>
      tpu.vector_store %arg6[%swap3A, %swap3A_76], %add3A_75 {strides = array<i32>} : memref<1024x1xf32, #tpu.memory_space<vmem>>, vector<1024x1xf32>,
      %get3A_78 = arith.constant 0 : index
      %get3A_79 = arith.constant 0 : index
      %get3A_80 = vector.load %arg7[%get3A_78, %get3A_79] : memref<1024x1xf32, #tpu.memory_space<vmem>>, vector<1024x1xf32>
      %add3A_81 = arith.addf %get3A_80, %broadcast_in_dim3A_57 : vector<1024x1xf32>
      %swap3A_82 = arith.constant 0 : index
      %swap3A_83 = arith.constant 0 : index
      %swap3A_84 = vector.load %arg7[%swap3A_82, %swap3A_83] : memref<1024x1xf32, #tpu.memory_space<vmem>>, vector<1024x1xf32>
      tpu.vector_store %arg7[%swap3A_82, %swap3A_83], %add3A_81 {strides = array<i32>} : memref<1024x1xf32, #tpu.memory_space<vmem>>, vector<1024x1xf32>,
    } else {
    }
    %eq3A_67 = arith.constant 7 : i32
    %eq3A_68 = arith.cmpi eq, %arg0, %eq3A_67 : i32
    %convert_element_type3A_69 = arith.extui %eq3A_68 : i1 to i32
    %cond3A_70 = arith.constant 0 : i32
    %cond3A_71 = arith.cmpi ne, %convert_element_type3A_69, %cond3A_70 : i32
    scf.if %cond3A_71 {
      %get3A_72 = arith.constant 0 : index
      %get3A_73 = arith.constant 0 : index
      %get3A_74 = vector.load %arg6[%get3A_72, %get3A_73] : memref<1024x1xf32, #tpu.memory_space<vmem>>, vector<1024x1xf32>
      %add3A_75 = arith.constant 9.99999997E-7 : f32
      %add3A_76 = vector.broadcast %add3A_75 : f32 to vector<1024x1xf32>
      %add3A_77 = arith.addf %get3A_74, %add3A_76 : vector<1024x1xf32>
      %get3A_78 = arith.constant 0 : index
      %get3A_79 = arith.constant 0 : index
      %get3A_80 = vector.load %arg7[%get3A_78, %get3A_79] : memref<1024x1xf32, #tpu.memory_space<vmem>>, vector<1024x1xf32>
      %div3A_81 = arith.divf %get3A_80, %add3A_77 : vector<1024x1xf32>
      %add3A_82 = arith.constant 9.99999997E-7 : f32
      %add3A_83 = vector.broadcast %add3A_82 : f32 to vector<1024x1xf32>
      %add3A_84 = arith.addf %div3A_81, %add3A_83 : vector<1024x1xf32>
      %log3A = math.log %add3A_84 : vector<1024x1xf32>
      %neg3A = arith.constant 0.000000e+00 : f32
      %neg3A_85 = vector.broadcast %neg3A : f32 to vector<1024x1xf32>
      %neg3A_86 = arith.subf %neg3A_85, %log3A : vector<1024x1xf32>
      %reduce_sum3A_87 = vector.shape_cast %neg3A_86 : vector<1024x1xf32> to vector<1x1024x1xf32>
      %reduce_sum3A_88 = arith.constant dense<0.000000e+00> : vector<1xf32>
      %reduce_sum3A_89 = vector.multi_reduction <add>, %reduce_sum3A_87, %reduce_sum3A_88 [1, 2] : vector<1x1024x1xf32> to vector<1xf32>
      %reduce_sum3A_90 = vector.shape_cast %reduce_sum3A_89 : vector<1xf32> to vector<1x1x1xf32>
      %reduce_sum3A_91 = vector.extract %reduce_sum3A_90[0, 0, 0] : f32 from vector<1x1x1xf32>
      %div3A_92 = arith.constant 1.024000e+03 : f32
      %div3A_93 = arith.divf %reduce_sum3A_91, %div3A_92 : f32
      %reshape3A = vector.broadcast %div3A_93 : f32 to vector<1x1xf32>
      %swap3A = arith.constant 0 : index
      %swap3A_94 = arith.constant 0 : index
      %swap3A_95 = vector.load %arg5[%swap3A, %swap3A_94] : memref<1x1xf32, #tpu.memory_space<vmem>>, vector<1x1xf32>
      tpu.vector_store %arg5[%swap3A, %swap3A_94], %reshape3A {strides = array<i32>} : memref<1x1xf32, #tpu.memory_space<vmem>>, vector<1x1xf32>,
    } else {
    }
    return
  }
  func.func @transform_0(%arg0: i32) -> (i32, i32) {
    %c0_i32 = arith.constant 0 : i32
    %c0_i32_0 = arith.constant 0 : i32
    %c0_i32_1 = arith.constant 0 : i32
    return %c0_i32, %c0_i32_0 : i32, i32
  }
  func.func @transform_1(%arg0: i32) -> (i32, i32, i32) {
    %c0_i32 = arith.constant 0 : i32
    %c0_i32_0 = arith.constant 0 : i32
    %c0_i32_1 = arith.constant 0 : i32
    return %c0_i32, %arg0, %c0_i32_0 : i32, i32, i32
  }
  func.func @transform_2(%arg0: i32) -> (i32, i32, i32) {
    %c0_i32 = arith.constant 0 : i32
    %c0_i32_0 = arith.constant 0 : i32
    %c0_i32_1 = arith.constant 0 : i32
    return %c0_i32, %arg0, %c0_i32_0 : i32, i32, i32
  }
  func.func @transform_3(%arg0: i32) -> (i32, i32) {
    %c0_i32 = arith.constant 0 : i32
    %c0_i32_0 = arith.constant 0 : i32
    %c0_i32_1 = arith.constant 0 : i32
    return %c0_i32, %c0_i32_0 : i32, i32
  }
  func.func @transform_4(%arg0: i32) -> (i32, i32) {
    %c0_i32 = arith.constant 0 : i32
    %c0_i32_0 = arith.constant 0 : i32
    %c0_i32_1 = arith.constant 0 : i32
    return %c0_i32, %c0_i32_0 : i32, i32
  }
}

</mosaic_0001>

<sc_bundles>
// kernel: kernel.4.cloned.1.call-start
scs
__scs_entry_jumppad:
0x0: {  	(pc) =	sbr.rel $0x88, $3  }
0x1: {  	(tag) =	ssettag $0x0;
	lr =	simm.s32 $0x1  }
0x2: {  	[smem:$0x3F9D] =	sst lr;
	_ =	strace $0xD0000000  }
0x3: {  	_ = 	snop  }
0x4: {  	_ = 	snop  }
0x5: {  	_ = 	snop  }
0x6: {  	_ = 	snop  }
0x7: {  	_ = 	snop  }
__scs_overlays_trampoline_lowered:
0x8: {  	[smem:$0x3FAC] =	sst s0  }
0x9: {  	[smem:$0x3FAD] =	sst s1  }
0xa: {  	[smem:$0x3FAE] =	sst s2  }
0xb: {  	[smem:$0x3FAF] =	sst s3  }
0xc: {  	[smem:$0x3FB0] =	sst s4  }
0xd: {  	[smem:$0x3FB1] =	sst s5  }
0xe: {  	[smem:$0x3FB2] =	sst s6  }
0xf: {  	[smem:$0x3FB3] =	sst s7  }
0x10: {  	[smem:$0x3FB4] =	sst s8  }
0x11: {  	[smem:$0x3FB5] =	sst s9;
	s0 =	simm.s32 @!p0 $0x0  }
0x12: {  	s1 =	sld [smem:$0x3F9B];
	s0 =	simm.s32 @p0 $0x1  }
0x13: {  	[smem:$0x3FB6] =	sst s0;
	s0 =	simm.s32 @!p1 $0x0  }
0x14: {  	s2 =	sld [smem:$0x3F9A];
	s0 =	simm.s32 @p1 $0x1  }
0x15: {  	[smem:$0x3FB7] =	sst s0;
	s0 =	simm.s32 @!p2 $0x0  }
0x16: {  	s3 =	sld [smem:$0x3FDB];
	s0 =	simm.s32 @p2 $0x1  }
0x17: {  	s4 =	simm.s32 $0x1BF5;
	[smem:$0x3FB9] =	sst s0  }
0x18: {  	s0 =	sld [smem:$0x3F9C];
	_ =	swait.ge [sflag:s4], $0x0  }
0x19: {  	s7 =	sld [smem:$0x3F9D]  }
0x1a: {  	s8 =	sadd.s32 $0xFFFFE003, lr  }
0x1b: {  	s9 =	sadd.s32 $0xFFFFFEF7, lr;
	s5 =	simm.s32 $0xFFFFFFFF;
	p2 =	slt.u32 s8, $0xFFFFF086  }
0x1c: {  	p1 =	slt.u32 s9, $0xF7A;
	s5 =	simm.s32 @!p2 $0x0  }
0x1d: {  	s5 =	simm.s32 @p1 $0x1;
	p0 =	seq.s32 s7, s2  }
0x1e: {  	s7 =	smul.u32 @!p0 $0xF7A, s2;
	p2 =	seq.s32 @!p0 s5, $0x0  }
0x1f: {  	s9 =	smul.u32 $0xF7A, s1;
	s8 =	simm.s32 @!p0 $0x1BF5;
	p2 =	por !p2, p0  }
0x20: {  	[sflag:s8] =	ssyncset.s32 @!p0 $0xFFFFF086;
	s6 =	sadd.s32 @!p0 s3, s7;
	s7 =	simm.s32 @!p0 $0x108  }
0x21: {  	s3 =	sadd.s32 s3, s9;
	s6 =	sadd.s32 @!p0 $0x88, s6;
	s7 =	simm.s32 @p2 $0x1082  }
0x22: {  	[simem:s7], [sflag:s8] =	dma.local @!p0 [hbm:s6], $0xF7A  }
0x23: {  	s9 =	sor.u32 $0xD0000000, s2;
	s6 =	simm.s32 $0x108;
	_ =	swait.ge @!p0 [sflag:s8], $0x0  }
0x24: {  	s3 =	sadd.s32 $0x88, s3;
	s6 =	simm.s32 @!p1 $0x1082;
	[sflag:s4] =	ssyncset.s32 $0xFFFFF086  }
0x25: {  	[simem:s6], [sflag:s4] =	dma.local [hbm:s3], $0xF7A  }
0x26: {  	[smem:$0x3F9D] =	sst s1;
	(tag) =	ssettag s2;
	_ =	strace s9  }
0x27: {  	s1 =	sld [smem:$0x3FAD]  }
0x28: {  	s2 =	sld [smem:$0x3FAE]  }
0x29: {  	s4 =	sld [smem:$0x3FB0]  }
0x2a: {  	p0 =	seq.s32 s5, $0x0;
	s5 =	sld [smem:$0x3FB1]  }
0x2b: {  	s6 =	sld [smem:$0x3FB2]  }
0x2c: {  	s7 =	sld [smem:$0x3FB3]  }
0x2d: {  	s3 =	simm.s32 $0x108;
	s8 =	sld [smem:$0x3FB4]  }
0x2e: {  	s3 =	simm.s32 @!p0 $0x1082;
	s9 =	sld [smem:$0x3FB5]  }
0x2f: {  	lr =	sadd.s32 s0, s3;
	s0 =	sld [smem:$0x3FAC]  }
0x30: {  	s3 =	sld [smem:$0x3FAF]  }
0x31: {  	[smem:$0x3FB8] =	sst s10  }
0x32: {  	s10 =	sld [smem:$0x3FB6];
	_ =	sdelay $0x3  }
0x33: {  	p0 =	seq.s32 s10, $0x1;
	s10 =	sld [smem:$0x3FB8];
	_ =	sdelay $0x3  }
0x34: {  	[smem:$0x3FB8] =	sst s10  }
0x35: {  	s10 =	sld [smem:$0x3FB7];
	_ =	sdelay $0x3  }
0x36: {  	p1 =	seq.s32 s10, $0x1;
	s10 =	sld [smem:$0x3FB8];
	_ =	sdelay $0x3  }
0x37: {  	[smem:$0x3FB8] =	sst s10  }
0x38: {  	s10 =	sld [smem:$0x3FB9]  }
0x39: {  	_ = 	snop;
	(pc) =	sbr.ind lr, $3  }
0x3a: {  	_ = 	snop  }
0x3b: {  	_ = 	snop  }
0x3c: {  	p2 =	seq.s32 s10, $0x1;
	s10 =	sld [smem:$0x3FB8]  }
0x3d: {  	_ =	shalt  }
0x3e: {  	_ =	shalt  }
0x3f: {  	_ =	shalt  }
0x40: {  	_ =	shalt  }
0x41: {  	_ =	shalt  }
0x42: {  	_ =	shalt  }
0x43: {  	_ =	shalt  }
0x44: {  	_ =	shalt  }
0x45: {  	_ =	shalt  }
0x46: {  	_ =	shalt  }
0x47: {  	_ =	shalt  }
0x48: {  	_ =	shalt  }
0x49: {  	_ =	shalt  }
0x4a: {  	_ =	shalt  }
0x4b: {  	_ =	shalt  }
0x4c: {  	_ =	shalt  }
0x4d: {  	_ =	shalt  }
0x4e: {  	_ =	shalt  }
0x4f: {  	_ =	shalt  }
0x50: {  	_ =	shalt  }
0x51: {  	_ =	shalt  }
0x52: {  	_ =	shalt  }
0x53: {  	_ =	shalt  }
0x54: {  	_ =	shalt  }
0x55: {  	_ =	shalt  }
0x56: {  	_ =	shalt  }
0x57: {  	_ =	shalt  }
0x58: {  	_ =	shalt  }
0x59: {  	_ =	shalt  }
0x5a: {  	_ =	shalt  }
0x5b: {  	_ =	shalt  }
0x5c: {  	_ =	shalt  }
0x5d: {  	_ =	shalt  }
0x5e: {  	_ =	shalt  }
0x5f: {  	_ =	shalt  }
0x60: {  	_ =	shalt  }
0x61: {  	_ =	shalt  }
0x62: {  	_ =	shalt  }
0x63: {  	_ =	shalt  }
0x64: {  	_ =	shalt  }
0x65: {  	_ =	shalt  }
0x66: {  	_ =	shalt  }
0x67: {  	_ =	shalt  }
0x68: {  	_ =	shalt  }
0x69: {  	_ =	shalt  }
0x6a: {  	_ =	shalt  }
0x6b: {  	_ =	shalt  }
0x6c: {  	_ =	shalt  }
0x6d: {  	_ =	shalt  }
0x6e: {  	_ =	shalt  }
0x6f: {  	_ =	shalt  }
0x70: {  	_ =	shalt  }
0x71: {  	_ =	shalt  }
0x72: {  	_ =	shalt  }
0x73: {  	_ =	shalt  }
0x74: {  	_ =	shalt  }
0x75: {  	_ =	shalt  }
0x76: {  	_ =	shalt  }
0x77: {  	_ =	shalt  }
0x78: {  	_ =	shalt  }
0x79: {  	_ =	shalt  }
0x7a: {  	_ =	shalt  }
0x7b: {  	_ =	shalt  }
0x7c: {  	_ =	shalt  }
0x7d: {  	_ =	shalt  }
0x7e: {  	_ =	shalt  }
0x7f: {  	_ =	shalt  }
0x80: {  	_ =	shalt  }
0x81: {  	_ =	shalt  }
0x82: {  	_ =	shalt  }
0x83: {  	_ =	shalt  }
0x84: {  	_ =	shalt  }
0x85: {  	_ =	shalt  }
0x86: {  	_ =	shalt  }
0x87: {  	_ =	shalt  }
.Lfunc_end0:
.L_simem_size_0:
called_computation_lowered:
.L_overlay_start_0:
0x88: {  	s2 =	sld [smem:$0x3FD9]  }
0x89: {  	s3 =	sld [smem:$0x3FFE];
	_ =	sdelay $0x1  }
0x8a: {  	s1 =	srdreg.scid  }
0x8b: {  	s0 =	sand.u32 $0x1, s1  }
0x8c: {  	s17 =	sshll.u32 s0, $0xA;
	s2 =	sadd.s32 s3, s2  }
0x8d: {  	s2 =	sadd.s32 s2, s17  }
0x8e: {  	[smem:$0x3FC4] =	sst s2  }
0x8f: {  	_ = 	snop  }
0x90: {  	s2 =	sld [smem:$0x3FC8]  }
0x91: {  	s18 =	sld [smem:$0x3FC6];
	(tm) =	ssettm $0x1  }
0x92: {  	s4 =	sld [smem:$0x3FFB];
	_ =	sdelay $0x3  }
0x93: {  	_ =	strace s4  }
0x94: {  	s4 =	sld [smem:$0x3FFC];
	_ =	sdelay $0x3  }
0x95: {  	_ =	strace s4  }
0x96: {  	s4 =	sld [smem:$0x3FFD];
	_ =	sdelay $0x3  }
0x97: {  	_ =	strace s4  }
0x98: {  	_ =	strace $0x8FFFFFFF  }
0x99: {  	s19 =	sld [smem:$0x3FDB];
	_ =	sdelay $0x1  }
0x9a: {  	s5 =	simm.s32 $_scs_section_size  }
0x9b: {  	s6 =	simm.s32 $_size__tile_overlayer_lowered;
	s7 =	simm.s32 $_tile_overlayer_lowered  }
0x9c: {  	s22 =	simm.s32 $0x1BFF;
	s21 =	sshll.u32 s7, $0x1;
	s4 =	sadd.s32 s5, s19  }
0x9d: {  	s8 =	simm.s32 $0x0;
	s20 =	sshll.u32 s6, $0x1;
	s6 =	sadd.s32 s21, s4  }
0x9e: {  	[timem:s8], [sflag:s22] =	dma.local [hbm:s6], s20  }
0x9f: {  	_ =	swait.ge [sflag:s22], s20  }
0xa0: {  	s5 =	ssub.s32 $0x0, s20;
	[sflag:s22] =	ssyncset.done $0x0  }
0xa1: {  	[sflag:s22] =	ssyncadd.s32 s5;
	_ =	sdelay $0x1  }
0xa2: {  	s23 =	simm.s32 $0x1B8B  }
0xa3: {  	_ =	swait.ge [sflag:s23], $0x1  }
0xa4: {  	[sflag:s23] =	ssyncset.done $0x0  }
0xa5: {  	s25 =	simm.s32 $0x1B8E;
	s24 =	sld [smem:$0x3FFE];
	[sflag:s23] =	ssyncadd.s32 $0xFFFFFFFF  }
0xa6: {  	s26 =	simm.s32 $execute0_lowered;
	[smem:$0x3FD2] =	sst s25  }
0xa7: {  	s6 =	sshll.u32 s26, $0x1;
	_ =	strace $0x80000046;
	[dreg:$0x1] =	wrdreg $0xFFFFFFFF  }
0xa8: {  	s28 =	simm.s32 $_size_execute0_lowered;
	s4 =	sadd.s32 s4, s6;
	[dreg:$0x0] =	wrdreg $0x0  }
0xa9: {  	s6 =	sshll.u32 s28, $0x1;
	[dreg:$0x2] =	wrdreg s4  }
0xaa: {  	[dreg:$0x3] =	wrdreg s6  }
0xab: {  	[dreg:$0x4] =	wrdreg $0xC0  }
0xac: {  	_ =	task [dreg:s8], $0x5FFFF  }
0xad: {  	[dreg:$0x1] =	wrdreg $0xFFFFFFFF  }
0xae: {  	[dreg:$0x0] =	wrdreg $0x60  }
0xaf: {  	[dreg:$0x2] =	wrdreg s24  }
0xb0: {  	[dreg:$0x3] =	wrdreg s18  }
0xb1: {  	[dreg:$0x4] =	wrdreg s2  }
0xb2: {  	[dreg:$0x5] =	wrdreg $0xE1800  }
0xb3: {  	[dreg:$0x6] =	wrdreg $0x121800  }
0xb4: {  	[dreg:$0x7] =	wrdreg $0x9  }
0xb5: {  	_ =	task.clear_ibuf [dreg:s8], $0x8FFFF;
	_ =	strace $0x90000046  }
0xb6: {  	s29 =	simm.s32 $0x9;
	_ =	strace $0x80000048  }
0xb7: {  	_ =	swait.ge [sflag:s29], $0x1  }
0xb8: {  	[sflag:s29] =	ssyncadd.s32 $0xFFFFFFFF  }
0xb9: {  	_ =	strace $0x90000048  }
0xba: {  	_ =	sfence  }
0xbb: {  	s30 =	sld [smem:$0x0];
	_ =	sdelay $0x2  }
0xbc: {  	s31 =	sshll.u32 s1, $0xD;
	s1 =	sshrl.u32 s1, $0x2  }
0xbd: {  	s3 =	sand.u32 $0x4000, s31;
	s1 =	sadd.s32 s1, s30  }
0xbe: {  	s0 =	sor.u32 s3, s0;
	s1 =	sshll.u32 s1, $0x11  }
0xbf: {  	s0 =	sor.u32 s1, s0  }
0xc0: {  	s0 =	sadd.s32 $0x8F2B, s0  }
0xc1: {  	[sflag:s0] =	ssyncadd.remote.s32 $0x1  }
0xc2: {  	_ =	sfence.sel $0xFFFF  }
0xc3: {  	[dreg:$0x0] =	wrdreg $0xFFFFFFFF;
	(pc) =	sbr.abs _section_cstart, $3  }
0xc4: {  	[dreg:$0x1] =	wrdreg $0xFFFFFFFF  }
0xc5: {  	_ =	task.clear_ibuf [dreg:s8], $0x2FFFF;
	_ =	strace $0x9FFFFFFF  }
0xc6: {  	(tm) =	ssettm $0x7FFFFFFF  }
0xc7: {  	_ =	shalt  }
tec
execute0_lowered:
.L_overlay_start_1:
0x0: {  	(tag) =	ssettag $0x1  }
0x1: {  	s0 =	rddreg [dreg:$0x0]  }
0x2: {  	s17 =	rddreg [dreg:$0x1]  }
0x3: {  	s1 =	rddreg [dreg:$0x2]  }
0x4: {  	s3 =	rddreg [dreg:$0x3]  }
0x5: {  	s2 =	srdreg.scid;
	s16 =	stileid.u32  }
0x6: {  	s4 =	rddreg [dreg:$0x4];
	s5 =	simm.s32 $0x0;
	s28 =	simm.s32 $0x9000  }
0x7: {  	s29 =	simm.s32 $0x1;
	s30 =	simm.s32 $0x1000;
	s31 =	simm.s32 $0x5000  }
0x8: {  	s2 =	sand.u32 $0x1, s2;
	[smem:$0x7FF] =	sst s5;
	s8 =	sadd.s32 $0x1000, s0  }
0x9: {  	s6 =	sshll.u32 s16, $0x1;
	s9 =	sadd.s32 $0x18AC00, s0;
	s22 =	sadd.s32 $0x18BC00, s0  }
0xa: {  	s23 =	sadd.s32 $0x18CC00, s0;
	s25 =	sshll.u32 s16, $0xF;
	s26 =	sshll.u32 s16, $0x6  }
0xb: {  	s18 =	smul.u32 $0x30, s16;
	_ =	strace $0x80000047;
	[dreg:$0x6] =	wrdreg s9  }
0xc: {  	s20 =	sadd.s32 $0x30D0, s17;
	p2 =	sgt.u32 s16, $0x3;
	[dreg:$0x7] =	wrdreg s22  }
0xd: {  	s6 =	sor.u32 s2, s6;
	[dreg:$0x8] =	wrdreg s23;
	s24 =	sshll.u32 s2, $0x10  }
0xe: {  	s10 =	ssub.s32 $0x2, s2;
	s15 =	sadd.s32 s25, s3;
	s2 =	smul.u32 $0x18, s2  }
0xf: {  	[dreg:$0xd] =	wrdreg s20;
	s7 =	smul.u32 $0x180, s6;
	s9 =	sadd.s32 s24, s0  }
0x10: {  	s12 =	sshll.u32 s6, $0x4;
	s11 =	sshrl.u32 s10, $0x1;
	s14 =	smul.u32 $0xC000, s6  }
0x11: {  	[dreg:$0xa] =	wrdreg s15;
	s23 =	sshll.u32 s6, $0xB;
	p0 =	sgt.u32 s6, $0xC  }
0x12: {  	s13 =	sadd.s32 s12, s0;
	s10 =	ssub.s32 s10, s11;
	s11 =	sor.u32 $0x1C03, s26  }
0x13: {  	s19 =	sadd.s32 s12, s17;
	s21 =	sadd.s32 s2, s18;
	s22 =	sadd.s32 $0x18D600, s9  }
0x14: {  	s1 =	sadd.s32 s1, s12;
	s24 =	sadd.s32 $0x1AD600, s9;
	p1 =	sne.s32 @p0 s6, $0x1F  }
0x15: {  	s2 =	simm.s32 $0x80;
	s6 =	simm.s32 $0xB00;
	s7 =	sadd.s32 s7, s0  }
0x16: {  	s14 =	sadd.s32 s8, s14;
	s0 =	sadd.s32 $0x187800, s0;
	[dreg:$0xf] =	wrdreg s1  }
0x17: {  	s1 =	sadd.s32 s23, s8;
	s26 =	sadd.s32 $0x18D400, s13;
	p1 =	por p1, !p0  }
0x18: {  	s7 =	sadd.s32 $0x187A00, s7;
	[dreg:$0xe] =	wrdreg s0;
	s0 =	sshll.u32 s21, $0xB  }
0x19: {  	[dreg:$0x10] =	wrdreg s26;
	s18 =	smov.u32 s14;
	s20 =	sadd.s32 $0xB800, s14  }
0x1a: {  	s21 =	sadd.s32 $0x180000, s1;
	s26 =	simm.s32 $0x3;
	s1 =	simm.s32 $0x2  }
0x1b: {  	[dreg:$0x9] =	wrdreg s7;
	s7 =	sadd.s32 s25, s4;
	s0 =	sadd.s32 s0, s8  }
0x1c: {  	s25 =	sshll.u32 s16, $0xC;
	s8 =	simm.s32 $0x0;
	[dreg:$0xb] =	wrdreg s7  }
0x1d: {  	s7 =	sadd.s32 $0x3000, s19;
	s19 =	smax.u32 s10, $0x1;
	s22 =	sadd.s32 s25, s22  }
0x1e: {  	s23 =	sadd.s32 s25, s24;
	s24 =	sadd.s32 $0x1000, s0;
	s25 =	sadd.s32 $0x800, s0  }
0x1f: {  	s0 =	simm.s32 $0x4;
	[dreg:$0xc] =	wrdreg s7;
	s7 =	simm.s32 $0xB80  }
.LBB2_1:
0x20: {  	s9 =	rddreg [dreg:$0x9]  }
0x21: {  	s12 =	rddreg [dreg:$0xa]  }
0x22: {  	[tilespmem:s5], [sflag:$0x1] =	stream.linear.gather [hbm4b:s9+s5], $0xC00, $0x38;
	[tilespmem:$0x13180] =	vst v63  }
0x23: {  	s10 =	rddreg [dreg:$0x6];
	s9 =	sshrl.u32 s12, $0x3  }
0x24: {  	[spmem:s9], [sflag:s11] =	dma.local [hbm:s10], $0x1000  }
0x25: {  	_ =	swait.ge [sflag:s26], $0x1000  }
0x26: {  	[sflag:s26] =	ssyncset.done $0x0;
	s13 =	rddreg [dreg:$0xb]  }
0x27: {  	s12 =	rddreg [dreg:$0x7];
	[sflag:s26] =	ssyncadd.s32 $0xFFFFF000;
	s10 =	sshrl.u32 s13, $0x3  }
0x28: {  	[spmem:s10], [sflag:s11] =	dma.local [hbm:s12], $0x1000  }
0x29: {  	_ =	swait.ge [sflag:s26], $0x1000  }
0x2a: {  	[sflag:s26] =	ssyncset.done $0x0  }
0x2b: {  	s14 =	rddreg [dreg:$0x8];
	[sflag:s26] =	ssyncadd.s32 $0xFFFFF000  }
0x2c: {  	[tilespmem:s28], [sflag:$0x3] =	stream.linear.gather [hbm4b:s14+s5], $0x4000, $0x38;
	[tilespmem:$0x13180] =	vst v63  }
0x2d: {  	_ =	swait.ge [sflag:s26], $0x4000  }
0x2e: {  	[sflag:s26] =	ssyncset.done $0x0  }
0x2f: {  	[sflag:s26] =	ssyncadd.s32 $0xFFFFC000  }
0x30: {  	_ =	swait.ge [sflag:s29], $0xC00  }
0x31: {  	s13 =	simm.s32 @!p0 $0xC00;
	[sflag:s29] =	ssyncset.done $0x0  }
0x32: {  	s12 =	simm.s32 @!p0 $0x0;
	s14 =	rddreg [dreg:$0xc];
	[sflag:s29] =	ssyncadd.s32 $0xFFFFF400  }
0x33: {  	[tilespmem:s13], [sflag:$0x3] =	stream.linear.gather @!p0 [hbm4b:s14+s12], $0x80, $0x38;
	[tilespmem:$0x13180] =	vst v63  }
0x34: {  	s12 =	simm.s32 @!p0 $0x3  }
0x35: {  	_ =	swait.ge @!p0 [sflag:s12], $0x80  }
0x36: {  	[sflag:s12] =	ssyncset.done @!p0 $0x0  }
0x37: {  	[sflag:s12] =	ssyncadd.s32 @!p0 $0xFFFFFF80  }
0x38: {  	[bflag:$0x0] =	sbarrier.arrive $0xFFFF  }
0x39: {  	[tilespmem:s30], [sflag:$0x1] =	stream.linear.gather [hbm4b:s18+s5], $0x4000, $0x38;
	[tilespmem:$0x13180] =	vst v63  }
0x3a: {  	s15 =	sadd.s32 $0x0, s25  }
0x3b: {  	[tilespmem:s31], [sflag:$0x2] =	stream.linear.gather [hbm4b:s15+s5], $0x4000, $0x38;
	[tilespmem:$0x13180] =	vst v63  }
0x3c: {  	_ =	swait.ge [sflag:s29], $0x4000  }
0x3d: {  	[sflag:s29] =	ssyncset.done $0x0  }
0x3e: {  	[sflag:s29] =	ssyncadd.s32 $0xFFFFC000  }
0x3f: {  	[spmem:s3] =	stream.indirect.scatter.add.f32 [tilespmem:s30], [sflag:$0x4], $0x40, s5, s2, $0xb8;
	[tilespmem:$0x13180] =	vst v63  }
0x40: {  	_ =	swait.ge [sflag:s0], $0x2000  }
0x41: {  	[sflag:s0] =	ssyncset.done $0x0  }
0x42: {  	[sflag:s0] =	ssyncadd.s32 $0xFFFFE000  }
0x43: {  	[spmem:s4] =	stream.indirect.scatter.add.f32 [tilespmem:s28], [sflag:$0x4], $0x10, s5, s2, $0xb8;
	[tilespmem:$0x13180] =	vst v63  }
0x44: {  	_ =	swait.ge [sflag:s0], $0x800  }
0x45: {  	[sflag:s0] =	ssyncset.done $0x0  }
0x46: {  	s16 =	sadd.s32 $0x0, s24;
	[sflag:s0] =	ssyncadd.s32 $0xFFFFF800  }
0x47: {  	[tilespmem:s30], [sflag:$0x1] =	stream.linear.gather [hbm4b:s16+s5], $0x4000, $0x38;
	[tilespmem:$0x13180] =	vst v63  }
0x48: {  	_ =	swait.ge [sflag:s1], $0x4000  }
0x49: {  	[sflag:s1] =	ssyncset.done $0x0  }
0x4a: {  	s17 =	simm.s32 $0x80;
	[sflag:s1] =	ssyncadd.s32 $0xFFFFC000  }
0x4b: {  	[spmem:s3] =	stream.indirect.scatter.add.f32 [tilespmem:s31], [sflag:$0x4], $0x40, s17, s2, $0xb8;
	[tilespmem:$0x13180] =	vst v63  }
0x4c: {  	_ =	swait.ge [sflag:s0], $0x2000  }
0x4d: {  	[sflag:s0] =	ssyncset.done $0x0  }
0x4e: {  	[sflag:s0] =	ssyncadd.s32 $0xFFFFE000  }
0x4f: {  	[spmem:s4] =	stream.indirect.scatter.add.f32 [tilespmem:s28], [sflag:$0x3], $0x10, s17, s2, $0xb8;
	[tilespmem:$0x13180] =	vst v63  }
0x50: {  	s13 =	simm.s32 $0x1000;
	_ =	swait.ge [sflag:s26], $0x800  }
0x51: {  	s12 =	simm.s32 $0x100;
	s15 =	simm.s32 $0x2000;
	[sflag:s26] =	ssyncset.done $0x0  }
.LBB2_2:
0x52: {  	s16 =	sadd.s32 s13, s25  }
0x53: {  	[sflag:s26] =	ssyncadd.s32 $0xFFFFF800;
	s17 =	smov.u32 s15;
	s14 =	sadd.s32 $0x1000, s15  }
0x54: {  	[tilespmem:s31], [sflag:$0x2] =	stream.linear.gather [hbm4b:s16+s5], $0x4000, $0x38;
	[tilespmem:$0x13180] =	vst v63  }
0x55: {  	p3 =	sne.s32 s15, $0xA000;
	_ =	swait.ge [sflag:s29], $0x4000  }
0x56: {  	[sflag:s29] =	ssyncset.done $0x0  }
0x57: {  	[sflag:s29] =	ssyncadd.s32 $0xFFFFC000  }
0x58: {  	[spmem:s3] =	stream.indirect.scatter.add.f32 [tilespmem:s30], [sflag:$0x4], $0x40, s12, s2, $0xb8;
	[tilespmem:$0x13180] =	vst v63  }
0x59: {  	_ =	swait.ge [sflag:s0], $0x2000  }
0x5a: {  	[sflag:s0] =	ssyncset.done $0x0  }
0x5b: {  	[sflag:s0] =	ssyncadd.s32 $0xFFFFE000  }
0x5c: {  	[spmem:s4] =	stream.indirect.scatter.add.f32 [tilespmem:s28], [sflag:$0x4], $0x10, s12, s2, $0xb8;
	[tilespmem:$0x13180] =	vst v63  }
0x5d: {  	_ =	swait.ge [sflag:s0], $0x800  }
0x5e: {  	[sflag:s0] =	ssyncset.done $0x0  }
0x5f: {  	s15 =	sadd.s32 s13, s24;
	s13 =	smov.u32 s17;
	[sflag:s0] =	ssyncadd.s32 $0xFFFFF800  }
0x60: {  	[tilespmem:s30], [sflag:$0x1] =	stream.linear.gather [hbm4b:s15+s5], $0x4000, $0x38;
	[tilespmem:$0x13180] =	vst v63  }
0x61: {  	_ =	swait.ge [sflag:s1], $0x4000  }
0x62: {  	[sflag:s1] =	ssyncset.done $0x0  }
0x63: {  	s15 =	sadd.s32 $0x80, s12;
	[sflag:s1] =	ssyncadd.s32 $0xFFFFC000  }
0x64: {  	[spmem:s3] =	stream.indirect.scatter.add.f32 [tilespmem:s31], [sflag:$0x4], $0x40, s15, s2, $0xb8;
	[tilespmem:$0x13180] =	vst v63  }
0x65: {  	_ =	swait.ge [sflag:s0], $0x2000  }
.Ltmp0:
0x66: {  	[sflag:s0] =	ssyncset.done $0x0;
	(pc) =	sbr.rel @p3 .LBB2_2-.Ltmp0, $4  }
0x67: {  	[sflag:s0] =	ssyncadd.s32 $0xFFFFE000  }
0x68: {  	[spmem:s4] =	stream.indirect.scatter.add.f32 [tilespmem:s28], [sflag:$0x3], $0x10, s15, s2, $0xb8;
	[tilespmem:$0x13180] =	vst v63  }
0x69: {  	_ =	swait.ge [sflag:s26], $0x800  }
0x6a: {  	s12 =	sadd.s32 $0x100, s12;
	s15 =	smov.u32 s14;
	[sflag:s26] =	ssyncset.done $0x0  }
0x6b: {  	s14 =	sadd.s32 s13, s25;
	[sflag:s26] =	ssyncadd.s32 $0xFFFFF800  }
0x6c: {  	[tilespmem:s31], [sflag:$0x2] =	stream.linear.gather [hbm4b:s14+s5], $0x4000, $0x38;
	[tilespmem:$0x13180] =	vst v63  }
0x6d: {  	_ =	swait.ge [sflag:s29], $0x4000  }
0x6e: {  	[sflag:s29] =	ssyncset.done $0x0  }
0x6f: {  	[sflag:s29] =	ssyncadd.s32 $0xFFFFC000  }
0x70: {  	[spmem:s3] =	stream.indirect.scatter.add.f32 [tilespmem:s30], [sflag:$0x4], $0x40, s12, s2, $0xb8;
	[tilespmem:$0x13180] =	vst v63  }
0x71: {  	_ =	swait.ge [sflag:s0], $0x2000  }
0x72: {  	[sflag:s0] =	ssyncset.done $0x0  }
0x73: {  	[sflag:s0] =	ssyncadd.s32 $0xFFFFE000  }
0x74: {  	[spmem:s4] =	stream.indirect.scatter.add.f32 [tilespmem:s28], [sflag:$0x4], $0x10, s12, s2, $0xb8;
	[tilespmem:$0x13180] =	vst v63  }
0x75: {  	_ =	swait.ge [sflag:s0], $0x800  }
0x76: {  	[sflag:s0] =	ssyncset.done $0x0  }
0x77: {  	s16 =	sadd.s32 s13, s24;
	[sflag:s0] =	ssyncadd.s32 $0xFFFFF800  }
0x78: {  	[tilespmem:s30], [sflag:$0x1] =	stream.linear.gather [hbm4b:s16+s5], $0x4000, $0x38;
	[tilespmem:$0x13180] =	vst v63  }
0x79: {  	_ =	swait.ge [sflag:s1], $0x4000  }
0x7a: {  	[sflag:s1] =	ssyncset.done $0x0  }
0x7b: {  	s17 =	sadd.s32 $0x80, s12;
	[sflag:s1] =	ssyncadd.s32 $0xFFFFC000  }
0x7c: {  	[spmem:s3] =	stream.indirect.scatter.add.f32 [tilespmem:s31], [sflag:$0x4], $0x40, s17, s2, $0xb8;
	[tilespmem:$0x13180] =	vst v63  }
0x7d: {  	_ =	swait.ge [sflag:s0], $0x2000  }
0x7e: {  	[sflag:s0] =	ssyncset.done $0x0  }
0x7f: {  	[sflag:s0] =	ssyncadd.s32 $0xFFFFE000  }
0x80: {  	[spmem:s4] =	stream.indirect.scatter.add.f32 [tilespmem:s28], [sflag:$0x3], $0x10, s17, s2, $0xb8;
	[tilespmem:$0x13180] =	vst v63  }
0x81: {  	_ =	swait.ge [sflag:s26], $0x800  }
0x82: {  	[sflag:s26] =	ssyncset.done $0x0  }
0x83: {  	[sflag:s26] =	ssyncadd.s32 $0xFFFFF800  }
0x84: {  	[tilespmem:s31], [sflag:$0x2] =	stream.linear.gather [hbm4b:s20+s5], $0x4000, $0x38;
	[tilespmem:$0x13180] =	vst v63  }
0x85: {  	_ =	swait.ge [sflag:s29], $0x4000  }
0x86: {  	[sflag:s29] =	ssyncset.done $0x0  }
0x87: {  	[sflag:s29] =	ssyncadd.s32 $0xFFFFC000  }
0x88: {  	[spmem:s3] =	stream.indirect.scatter.add.f32 [tilespmem:s30], [sflag:$0x4], $0x40, s6, s2, $0xb8;
	[tilespmem:$0x13180] =	vst v63  }
0x89: {  	_ =	swait.ge [sflag:s0], $0x2000  }
0x8a: {  	[sflag:s0] =	ssyncset.done $0x0  }
0x8b: {  	[sflag:s0] =	ssyncadd.s32 $0xFFFFE000  }
0x8c: {  	[spmem:s4] =	stream.indirect.scatter.add.f32 [tilespmem:s28], [sflag:$0x4], $0x10, s6, s2, $0xb8;
	[tilespmem:$0x13180] =	vst v63  }
0x8d: {  	_ =	swait.ge [sflag:s0], $0x800  }
0x8e: {  	[sflag:s0] =	ssyncset.done $0x0  }
0x8f: {  	s13 =	simm.s32 @!p0 $0x1000;
	s12 =	simm.s32 @!p0 $0x0;
	[sflag:s0] =	ssyncadd.s32 $0xFFFFF800  }
0x90: {  	[tilespmem:s13], [sflag:$0x1] =	stream.linear.gather @!p0 [hbm4b:s21+s12], $0x4000, $0x38;
	[tilespmem:$0x13180] =	vst v63  }
0x91: {  	_ =	swait.ge [sflag:s1], $0x4000  }
0x92: {  	[sflag:s1] =	ssyncset.done $0x0  }
0x93: {  	[sflag:s1] =	ssyncadd.s32 $0xFFFFC000  }
0x94: {  	[spmem:s3] =	stream.indirect.scatter.add.f32 [tilespmem:s31], [sflag:$0x4], $0x40, s7, s2, $0xb8;
	[tilespmem:$0x13180] =	vst v63  }
0x95: {  	_ =	swait.ge [sflag:s0], $0x2000  }
0x96: {  	[sflag:s0] =	ssyncset.done $0x0  }
0x97: {  	[sflag:s0] =	ssyncadd.s32 $0xFFFFE000  }
0x98: {  	[spmem:s4] =	stream.indirect.scatter.add.f32 [tilespmem:s28], [sflag:$0x3], $0x10, s7, s2, $0xb8;
	[tilespmem:$0x13180] =	vst v63  }
0x99: {  	_ =	swait.ge [sflag:s26], $0x800  }
0x9a: {  	s14 =	simm.s32 @!p1 $0xD000;
	[sflag:s26] =	ssyncset.done $0x0  }
0x9b: {  	s12 =	simm.s32 @!p1 $0x0;
	s15 =	rddreg [dreg:$0xd];
	[sflag:s26] =	ssyncadd.s32 $0xFFFFF800  }
0x9c: {  	[tilespmem:s14], [sflag:$0x3] =	stream.linear.gather @!p1 [hbm4b:s15+s12], $0x20, $0x38;
	[tilespmem:$0x13180] =	vst v63  }
0x9d: {  	s15 =	simm.s32 @!p1 $0x3  }
0x9e: {  	_ =	swait.ge @!p1 [sflag:s15], $0x20  }
0x9f: {  	[sflag:s15] =	ssyncset.done @!p1 $0x0  }
0xa0: {  	s16 =	simm.s32 @!p1 $0xD080;
	s17 =	rddreg [dreg:$0xe];
	[sflag:s15] =	ssyncadd.s32 @!p1 $0xFFFFFFE0  }
0xa1: {  	[tilespmem:s16], [sflag:$0x3] =	stream.linear.gather @!p1 [hbm4b:s17+s12], $0x1000, $0x38;
	[tilespmem:$0x13180] =	vst v63  }
0xa2: {  	_ =	swait.ge @!p1 [sflag:s15], $0x1000  }
0xa3: {  	[sflag:s15] =	ssyncset.done @!p1 $0x0  }
0xa4: {  	s12 =	simm.s32 @!p1 $0x20;
	[sflag:s15] =	ssyncadd.s32 @!p1 $0xFFFFF000  }
0xa5: {  	[spmem:s3] =	stream.indirect.scatter.add.f32 @!p1 [tilespmem:s16], [sflag:$0x3], $0x40, s14, s12, $0xb8;
	[tilespmem:$0x13180] =	vst v63  }
0xa6: {  	_ =	swait.ge @!p1 [sflag:s15], $0x800  }
0xa7: {  	[sflag:s15] =	ssyncset.done @!p1 $0x0  }
0xa8: {  	s16 =	simm.s32 @!p1 $0x9000;
	[sflag:s15] =	ssyncadd.s32 @!p1 $0xFFFFF800  }
0xa9: {  	[spmem:s4] =	stream.indirect.scatter.add.f32 @!p1 [tilespmem:s16], [sflag:$0x3], $0x10, s14, s12, $0xb8;
	[tilespmem:$0x13180] =	vst v63  }
0xaa: {  	_ =	swait.ge @!p1 [sflag:s15], $0x200  }
0xab: {  	[sflag:s15] =	ssyncset.done @!p1 $0x0  }
0xac: {  	s12 =	simm.s32 @!p0 $0x1;
	[sflag:s15] =	ssyncadd.s32 @!p1 $0xFFFFFE00  }
0xad: {  	_ =	swait.ge @!p0 [sflag:s12], $0x4000  }
0xae: {  	[sflag:s12] =	ssyncset.done @!p0 $0x0  }
0xaf: {  	s14 =	simm.s32 @!p0 $0xC00;
	[sflag:s12] =	ssyncadd.s32 @!p0 $0xFFFFC000;
	s12 =	simm.s32 @!p0 $0x80  }
0xb0: {  	[spmem:s3] =	stream.indirect.scatter.add.f32 @!p0 [tilespmem:s13], [sflag:$0x4], $0x40, s14, s12, $0xb8;
	[tilespmem:$0x13180] =	vst v63  }
0xb1: {  	s13 =	simm.s32 @!p0 $0x4  }
0xb2: {  	_ =	swait.ge @!p0 [sflag:s13], $0x2000  }
0xb3: {  	[sflag:s13] =	ssyncset.done @!p0 $0x0  }
0xb4: {  	s15 =	simm.s32 @!p0 $0x9000;
	[sflag:s13] =	ssyncadd.s32 @!p0 $0xFFFFE000  }
0xb5: {  	[spmem:s4] =	stream.indirect.scatter.add.f32 @!p0 [tilespmem:s15], [sflag:$0x4], $0x10, s14, s12, $0xb8;
	[tilespmem:$0x13180] =	vst v63  }
0xb6: {  	_ =	swait.ge @!p0 [sflag:s13], $0x800  }
0xb7: {  	[sflag:s13] =	ssyncset.done @!p0 $0x0  }
0xb8: {  	[sflag:s13] =	ssyncadd.s32 @!p0 $0xFFFFF800  }
0xb9: {  	[bflag:$0x0] =	sbarrier.arrive $0xFFFF  }
0xba: {  	[hbm:s22], [sflag:s11] =	dma.local [spmem:s9], $0x1000  }
0xbb: {  	_ =	swait.ge [sflag:s26], $0x1000  }
0xbc: {  	[sflag:s26] =	ssyncset.done $0x0  }
0xbd: {  	[sflag:s26] =	ssyncadd.s32 $0xFFFFF000  }
0xbe: {  	[hbm:s23], [sflag:s11] =	dma.local [spmem:s10], $0x1000  }
0xbf: {  	_ =	swait.ge [sflag:s26], $0x1000  }
0xc0: {  	s9 =	simm.s32 @!p2 $0x0;
	[sflag:s26] =	ssyncset.done $0x0  }
0xc1: {  	s10 =	simm.s32 @!p2 $0xE080;
	s12 =	rddreg [dreg:$0xf];
	[sflag:s26] =	ssyncadd.s32 $0xFFFFF000  }
0xc2: {  	[tilespmem:s10], [sflag:$0x3] =	stream.linear.gather @!p2 [hbm4b:s12+s9], $0x80, $0x38;
	[tilespmem:$0x13180] =	vst v63  }
0xc3: {  	s12 =	simm.s32 @!p2 $0x3  }
0xc4: {  	_ =	swait.ge @!p2 [sflag:s12], $0x80  }
0xc5: {  	[sflag:s12] =	ssyncset.done @!p2 $0x0  }
0xc6: {  	[sflag:s12] =	ssyncadd.s32 @!p2 $0xFFFFFF80  }
0xc7: {  	s14 =	simm.s32 @!p2 $0xE100;
	s13 =	simm.s32 @!p2 $0x80;
	s15 =	rddreg [dreg:$0x1]  }
0xc8: {  	[tilespmem:s14], [sflag:$0x3] =	stream.indirect.gather @!p2 [hbm4b:s15+s13], $0x1, s10, s13, $0xb8;
	[tilespmem:$0x13180] =	vst v63  }
0xc9: {  	s8 =	sadd.s32 $0x1, s8;
	_ =	swait.ge @!p2 [sflag:s12], $0x80  }
0xca: {  	p3 =	sne.s32 s8, s19;
	[sflag:s12] =	ssyncset.done @!p2 $0x0  }
.Ltmp1:
0xcb: {  	s10 =	rddreg [dreg:$0x10];
	[sflag:s12] =	ssyncadd.s32 @!p2 $0xFFFFFF80;
	(pc) =	sbr.rel @p3 .LBB2_1-.Ltmp1, $4  }
0xcc: {  	[hbm4b:s10+s9] =	stream.linear.scatter @!p2 [tilespmem:s14], [sflag:$0x3], $0x80, $0x38;
	[tilespmem:$0x13180] =	vst v63  }
0xcd: {  	_ =	swait.ge @!p2 [sflag:s12], $0x80  }
0xce: {  	[sflag:s12] =	ssyncset.done @!p2 $0x0  }
0xcf: {  	[sflag:s12] =	ssyncadd.s32 @!p2 $0xFFFFFF80  }
0xd0: {  	_ =	sfence.sel $0x180000  }
0xd1: {  	[bflag:$0x0] =	sbarrier.arrive $0xFFFF  }
0xd2: {  	_ =	strace $0x90000047  }
0xd3: {  	s0 =	stileid.u32;
	[bflag:$0x2] =	sbarrier.arrive $0xFFFF  }
0xd4: {  	p0 =	sne.s32 s0, $0x0;
	s0 =	rddreg [dreg:$0x5]  }
0xd5: {  	s0 =	sadd.s32 @!p0 $0x100000, s0  }
0xd6: {  	[sflag:s0] =	ssyncadd.tile.s32 @!p0 $0x1;
	_ =	shalt  }
.Lfunc_end2:
_tile_overlayer_lowered:
.L_overlay_start_2:
0xd7: {  	(tag) =	ssettag $0x2  }
0xd8: {  	s0 =	rddreg [dreg:$0x0];
	s2 =	stileid.u32  }
0xd9: {  	s1 =	rddreg [dreg:$0x1];
	p0 =	sne.s32 s2, $0x0  }
0xda: {  	s3 =	rddreg [dreg:$0x2];
	[bflag:$0x3] =	sbarrier.arrive $0xFFFF;
	s2 =	simm.s32 @!p0 $0x1C03  }
0xdb: {  	[timem:s3], [sflag:s2] =	dma.local @!p0 [hbm:s0], s1  }
0xdc: {  	s0 =	simm.s32 @!p0 $0x3  }
0xdd: {  	_ =	swait.ge @!p0 [sflag:s0], s1  }
0xde: {  	s1 =	ssub.s32 @!p0 $0x0, s1;
	[sflag:s0] =	ssyncset.done @!p0 $0x0  }
0xdf: {  	[sflag:s0] =	ssyncadd.s32 @!p0 s1  }
0xe0: {  	[bflag:$0x3] =	sbarrier.arrive $0xFFFF  }
0xe1: {  	_ =	shalt  }

</sc_bundles>
